<compile_context>
chip_gen: v7x
topology: tpu7x:2x2x1
jax: 0.10.2.dev20260603
libtpu: 0.0.44.dev20260713+nightly
codegen_flags: <defaults>
</compile_context>

<pallas_src>
import functools

import jax
import jax.numpy as jnp
from jax import lax
from jax.experimental import pallas as pl
from jax.experimental.pallas import tpu as pltpu
from jax.experimental.pallas import tpu_sc as plsc

_NC = 2
_NS = 16
_L = 16
_NW = _NC * _NS


def _argmin_body(mu_ref, cpt_ref, out_ref, bmin_ref, barg_ref, *, tn,
                 n_tiles):
    i = pl.program_id(0)
    mu = mu_ref[...]
    mu_sq = jnp.sum(mu * mu, axis=1, keepdims=True)
    m2 = jnp.dot(
        mu + mu, cpt_ref[0:3, :], preferred_element_type=jnp.float32
    )
    score = (cpt_ref[3:4, :] + mu_sq) - m2
    lmin = jnp.min(score, axis=0, keepdims=True)
    rowsf = lax.broadcasted_iota(jnp.int32, score.shape, 0).astype(
        jnp.float32
    )
    inf = jnp.float32(jnp.inf)
    larg = jnp.min(
        jnp.where(score == lmin, rowsf, inf), axis=0, keepdims=True
    ) + jnp.float32(i * tn)

    @pl.when(i == 0)
    def _():
        bmin_ref[...] = lmin
        barg_ref[...] = larg

    @pl.when(i > 0)
    def _():
        better = lmin < bmin_ref[...]
        bmin_ref[...] = jnp.where(better, lmin, bmin_ref[...])
        barg_ref[...] = jnp.where(better, larg, barg_ref[...])

    @pl.when(i == n_tiles - 1)
    def _():
        out_ref[...] = barg_ref[...].astype(jnp.int32)


def _nearest_idx(positions, cpt4, tn):
    n, p = positions.shape[0], cpt4.shape[1]
    n_tiles = n // tn
    nn = pl.pallas_call(
        functools.partial(_argmin_body, tn=tn, n_tiles=n_tiles),
        grid=(n_tiles,),
        in_specs=[
            pl.BlockSpec((tn, 3), lambda i: (i, 0)),
            pl.BlockSpec((4, p), lambda i: (0, 0)),
        ],
        out_specs=pl.BlockSpec((1, p), lambda i: (0, 0)),
        out_shape=jax.ShapeDtypeStruct((1, p), jnp.int32),
        scratch_shapes=[
            pltpu.VMEM((1, p), jnp.float32),
            pltpu.VMEM((1, p), jnp.float32),
        ],
    )(positions, cpt4)
    return nn.reshape(p)


def _sc_residual_body(mux_hbm, muy_hbm, muz_hbm, scx_hbm, scy_hbm, scz_hbm,
                      idx_hbm, cpx_hbm, cpy_hbm, cpz_hbm, w_hbm, out_hbm,
                      idx_v, gmux_v, gmuy_v, gmuz_v, gscx_v, gscy_v, gscz_v,
                      cpx_v, cpy_v, cpz_v, w_v, acc_v, sem, *, ppw):
    wid = lax.axis_index("s") * _NC + lax.axis_index("c")
    base = wid * ppw
    pltpu.sync_copy(idx_hbm.at[pl.ds(base, ppw)], idx_v)
    pltpu.sync_copy(cpx_hbm.at[pl.ds(base, ppw)], cpx_v)
    pltpu.sync_copy(cpy_hbm.at[pl.ds(base, ppw)], cpy_v)
    pltpu.sync_copy(cpz_hbm.at[pl.ds(base, ppw)], cpz_v)
    pltpu.sync_copy(w_hbm.at[pl.ds(base, ppw)], w_v)
    copies = [
        pltpu.async_copy(mux_hbm.at[idx_v], gmux_v, sem),
        pltpu.async_copy(muy_hbm.at[idx_v], gmuy_v, sem),
        pltpu.async_copy(muz_hbm.at[idx_v], gmuz_v, sem),
        pltpu.async_copy(scx_hbm.at[idx_v], gscx_v, sem),
        pltpu.async_copy(scy_hbm.at[idx_v], gscy_v, sem),
        pltpu.async_copy(scz_hbm.at[idx_v], gscz_v, sem),
    ]
    for c in copies:
        c.wait()

    acc = jnp.zeros((_L,), jnp.float32)
    for g in range(ppw // _L):
        sl = pl.ds(g * _L, _L)
        m2 = jnp.zeros((_L,), jnp.float32)
        for cp_v, gmu_v, gsc_v in (
            (cpx_v, gmux_v, gscx_v),
            (cpy_v, gmuy_v, gscy_v),
            (cpz_v, gmuz_v, gscz_v),
        ):
            delta = (cp_v[sl] - gmu_v[sl]) / (jnp.exp(gsc_v[sl]) + 1e-6)
            m2 = m2 + delta * delta
        seed = (lax.bitcast_convert_type(m2, jnp.int32) >> 1) + jnp.int32(
            0x1FBD1DF5
        )
        y = lax.bitcast_convert_type(seed, jnp.float32)
        for _ in range(3):
            y = 0.5 * (y + m2 / y)
        r = y - 1.0
        wv = jnp.clip(w_v[sl], 0.0, 1.0)
        acc = acc + r * r * wv
    acc_v[...] = acc
    pltpu.sync_copy(acc_v, out_hbm.at[wid])


def _sc_residual(mu_comps, sc_comps, nn_idx, cp_comps, contact_confidence,
                 p):
    ppw = p // _NW
    mesh = plsc.VectorSubcoreMesh(core_axis_name="c", subcore_axis_name="s")
    f32 = jnp.float32
    run = pl.kernel(
        functools.partial(_sc_residual_body, ppw=ppw),
        out_type=jax.ShapeDtypeStruct((_NW, _L), f32),
        mesh=mesh,
        scratch_types=[
            pltpu.VMEM((ppw,), jnp.int32),
            pltpu.VMEM((ppw,), f32),
            pltpu.VMEM((ppw,), f32),
            pltpu.VMEM((ppw,), f32),
            pltpu.VMEM((ppw,), f32),
            pltpu.VMEM((ppw,), f32),
            pltpu.VMEM((ppw,), f32),
            pltpu.VMEM((ppw,), f32),
            pltpu.VMEM((ppw,), f32),
            pltpu.VMEM((ppw,), f32),
            pltpu.VMEM((ppw,), f32),
            pltpu.VMEM((_L,), f32),
            pltpu.SemaphoreType.DMA,
        ],
    )
    return run(*mu_comps, *sc_comps, nn_idx, *cp_comps, contact_confidence)


def kernel(positions, scales, contact_points, contact_normals,
           contact_confidence):
    del contact_normals
    p = contact_points.shape[0]
    cp_sq = jnp.sum(contact_points * contact_points, axis=1, keepdims=True)
    cpt4 = jnp.concatenate(
        [contact_points, cp_sq], axis=1
    ).T
    nn_idx = _nearest_idx(positions, cpt4, tn=1024)
    mu_comps = (positions[:, 0], positions[:, 1], positions[:, 2])
    sc_comps = (scales[:, 0], scales[:, 1], scales[:, 2])
    cp_comps = (
        contact_points[:, 0], contact_points[:, 1], contact_points[:, 2],
    )
    partials = _sc_residual(mu_comps, sc_comps, nn_idx, cp_comps,
                            contact_confidence, p)
    return jnp.sum(partials) / jnp.float32(p)

# --- scband reference (transcript-rebuilt; emitter-appended) ---
"""Pipeline reference for scband-tactile-depth-residual-24927990186060 (READ-ONLY COPY).

The authoritative reference and input builder live on the scoring server;
editing this copy changes nothing except your own understanding.
"""

import jax, jax.numpy as jnp
import numpy as np


def setup_inputs(seed: int = 0) -> dict:
    key = jax.random.key(seed)
    k1, k2, k3, k4, k5 = jax.random.split(key, 5)
    N, P = 16384, 4096
    positions = jax.random.normal(k1, (N, 3), dtype=jnp.float32)
    scales = jax.random.normal(k2, (N, 3), dtype=jnp.float32)
    contact_points = jax.random.normal(k3, (P, 3), dtype=jnp.float32)
    contact_normals = jax.random.normal(k4, (P, 3), dtype=jnp.float32)
    contact_confidence = jax.random.uniform(k5, (P,), dtype=jnp.float32)
    return {
        "positions": positions,
        "scales": scales,
        "contact_points": contact_points,
        "contact_normals": contact_normals,
        "contact_confidence": contact_confidence,
    }


def reference(positions, scales, contact_points, contact_normals, contact_confidence):
    mu = positions
    s = jnp.exp(scales)
    # Squared Euclidean distances (argmin identical to torch.cdist argmin)
    cp_sq = jnp.sum(contact_points * contact_points, axis=1, keepdims=True)  # [P,1]
    mu_sq = jnp.sum(mu * mu, axis=1)[None, :]  # [1,N]
    d2 = cp_sq + mu_sq - 2.0 * (contact_points @ mu.T)  # [P,N]
    nn_idx = jnp.argmin(d2, axis=1)  # [P]
    mu_k = jnp.take(mu, nn_idx, axis=0)  # gather [P,3]
    s_k = jnp.take(s, nn_idx, axis=0)  # gather [P,3]
    delta = (contact_points - mu_k) / (s_k + 1e-06)
    m_norm = jnp.linalg.norm(delta, axis=-1)
    residual = (m_norm - 1.0) ** 2
    w = jnp.clip(contact_confidence, 0.0, 1.0)
    return jnp.mean(residual * w)

if __name__ == "__main__":
    import jax
    _d = setup_inputs()
    print(jax.jit(kernel)(*tuple(_d.values())))

</pallas_src>

<mosaic_0001>
#map = affine_map<(d0, d1) -> (0)>
#map1 = affine_map<(d0, d1) -> (0, 0)>
module attributes {stable_mosaic.version = 14 : i64} {
  func.func @_sc_residual_body(%arg0: i32, %arg1: i32, %arg2: memref<16384xf32, #tpu.memory_space<hbm>>, %arg3: memref<16384xf32, #tpu.memory_space<hbm>>, %arg4: memref<16384xf32, #tpu.memory_space<hbm>>, %arg5: memref<16384xf32, #tpu.memory_space<hbm>>, %arg6: memref<16384xf32, #tpu.memory_space<hbm>>, %arg7: memref<16384xf32, #tpu.memory_space<hbm>>, %arg8: memref<4096xi32, #tpu.memory_space<hbm>>, %arg9: memref<4096xf32, #tpu.memory_space<hbm>>, %arg10: memref<4096xf32, #tpu.memory_space<hbm>>, %arg11: memref<4096xf32, #tpu.memory_space<hbm>>, %arg12: memref<4096xf32, #tpu.memory_space<hbm>>, %arg13: memref<32x16xf32, #tpu.memory_space<hbm>>, %arg14: memref<128xi32, #tpu.memory_space<vmem>>, %arg15: memref<128xf32, #tpu.memory_space<vmem>>, %arg16: memref<128xf32, #tpu.memory_space<vmem>>, %arg17: memref<128xf32, #tpu.memory_space<vmem>>, %arg18: memref<128xf32, #tpu.memory_space<vmem>>, %arg19: memref<128xf32, #tpu.memory_space<vmem>>, %arg20: memref<128xf32, #tpu.memory_space<vmem>>, %arg21: memref<128xf32, #tpu.memory_space<vmem>>, %arg22: memref<128xf32, #tpu.memory_space<vmem>>, %arg23: memref<128xf32, #tpu.memory_space<vmem>>, %arg24: memref<128xf32, #tpu.memory_space<vmem>>, %arg25: memref<16xf32, #tpu.memory_space<vmem>>, %arg26: memref<!tpu.dma_semaphore, #tpu.memory_space<semaphore_mem>>) attributes {dimension_semantics = [#tpu.dimension_semantics<core_parallel>, #tpu.dimension_semantics<subcore_parallel>], iteration_bounds = array<i64: 2, 16>, scalar_prefetch = 0 : i64, scratch_operands = 13 : i64, tpu.core_type = #tpu.core_type<sc_vector_subcore>, window_params = [{transform_indices = #map}, {transform_indices = #map}, {transform_indices = #map}, {transform_indices = #map}, {transform_indices = #map}, {transform_indices = #map}, {transform_indices = #map}, {transform_indices = #map}, {transform_indices = #map}, {transform_indices = #map}, {transform_indices = #map}, {transform_indices = #map1}]} {
    %mul3A = arith.constant 2 : i32
    %mul3A_0 = arith.muli %arg1, %mul3A : i32
    %add3A = arith.addi %mul3A_0, %arg0 : i32
    %mul3A_1 = arith.constant 128 : i32
    %mul3A_2 = arith.muli %add3A, %mul3A_1 : i32
    "tpu.region"() ({
      %run_scoped3A = tpu.sem_alloc : memref<!tpu.dma_semaphore, #tpu.memory_space<semaphore_mem>>
      %dma_start3A_748 = tpu.memref_slice %arg8[%mul3A_2] : memref<4096xi32, #tpu.memory_space<hbm>> -> memref<128xi32, #tpu.memory_space<hbm>>
      %dma_start3A_749 = tpu.memref_slice %arg8[%mul3A_2] : memref<4096xi32, #tpu.memory_space<hbm>> -> memref<128xi32, #tpu.memory_space<hbm>>
      tpu.enqueue_dma source(%dma_start3A_749 : memref<128xi32, #tpu.memory_space<hbm>>) target(%arg14 : memref<128xi32, #tpu.memory_space<vmem>>) target_semaphore(%run_scoped3A : memref<!tpu.dma_semaphore, #tpu.memory_space<semaphore_mem>>)
      %dma_wait3A_750 = tpu.memref_slice %arg8[%mul3A_2] : memref<4096xi32, #tpu.memory_space<hbm>> -> memref<128xi32, #tpu.memory_space<hbm>>
      %dma_wait3A_751 = tpu.memref_slice %arg8[%mul3A_2] : memref<4096xi32, #tpu.memory_space<hbm>> -> memref<128xi32, #tpu.memory_space<hbm>>
      tpu.wait_dma2 semaphore(%run_scoped3A : memref<!tpu.dma_semaphore, #tpu.memory_space<semaphore_mem>>) src(%dma_wait3A_751 : memref<128xi32, #tpu.memory_space<hbm>>) dst(%arg14 : memref<128xi32, #tpu.memory_space<vmem>>)
      tpu.yield
    }) : () -> ()
    "tpu.region"() ({
      %run_scoped3A = tpu.sem_alloc : memref<!tpu.dma_semaphore, #tpu.memory_space<semaphore_mem>>
      %dma_start3A_748 = tpu.memref_slice %arg9[%mul3A_2] : memref<4096xf32, #tpu.memory_space<hbm>> -> memref<128xf32, #tpu.memory_space<hbm>>
      %dma_start3A_749 = tpu.memref_slice %arg9[%mul3A_2] : memref<4096xf32, #tpu.memory_space<hbm>> -> memref<128xf32, #tpu.memory_space<hbm>>
      tpu.enqueue_dma source(%dma_start3A_749 : memref<128xf32, #tpu.memory_space<hbm>>) target(%arg21 : memref<128xf32, #tpu.memory_space<vmem>>) target_semaphore(%run_scoped3A : memref<!tpu.dma_semaphore, #tpu.memory_space<semaphore_mem>>)
      %dma_wait3A_750 = tpu.memref_slice %arg9[%mul3A_2] : memref<4096xf32, #tpu.memory_space<hbm>> -> memref<128xf32, #tpu.memory_space<hbm>>
      %dma_wait3A_751 = tpu.memref_slice %arg9[%mul3A_2] : memref<4096xf32, #tpu.memory_space<hbm>> -> memref<128xf32, #tpu.memory_space<hbm>>
      tpu.wait_dma2 semaphore(%run_scoped3A : memref<!tpu.dma_semaphore, #tpu.memory_space<semaphore_mem>>) src(%dma_wait3A_751 : memref<128xf32, #tpu.memory_space<hbm>>) dst(%arg21 : memref<128xf32, #tpu.memory_space<vmem>>)
      tpu.yield
    }) : () -> ()
    "tpu.region"() ({
      %run_scoped3A = tpu.sem_alloc : memref<!tpu.dma_semaphore, #tpu.memory_space<semaphore_mem>>
      %dma_start3A_748 = tpu.memref_slice %arg10[%mul3A_2] : memref<4096xf32, #tpu.memory_space<hbm>> -> memref<128xf32, #tpu.memory_space<hbm>>
      %dma_start3A_749 = tpu.memref_slice %arg10[%mul3A_2] : memref<4096xf32, #tpu.memory_space<hbm>> -> memref<128xf32, #tpu.memory_space<hbm>>
      tpu.enqueue_dma source(%dma_start3A_749 : memref<128xf32, #tpu.memory_space<hbm>>) target(%arg22 : memref<128xf32, #tpu.memory_space<vmem>>) target_semaphore(%run_scoped3A : memref<!tpu.dma_semaphore, #tpu.memory_space<semaphore_mem>>)
      %dma_wait3A_750 = tpu.memref_slice %arg10[%mul3A_2] : memref<4096xf32, #tpu.memory_space<hbm>> -> memref<128xf32, #tpu.memory_space<hbm>>
      %dma_wait3A_751 = tpu.memref_slice %arg10[%mul3A_2] : memref<4096xf32, #tpu.memory_space<hbm>> -> memref<128xf32, #tpu.memory_space<hbm>>
      tpu.wait_dma2 semaphore(%run_scoped3A : memref<!tpu.dma_semaphore, #tpu.memory_space<semaphore_mem>>) src(%dma_wait3A_751 : memref<128xf32, #tpu.memory_space<hbm>>) dst(%arg22 : memref<128xf32, #tpu.memory_space<vmem>>)
      tpu.yield
    }) : () -> ()
    "tpu.region"() ({
      %run_scoped3A = tpu.sem_alloc : memref<!tpu.dma_semaphore, #tpu.memory_space<semaphore_mem>>
      %dma_start3A_748 = tpu.memref_slice %arg11[%mul3A_2] : memref<4096xf32, #tpu.memory_space<hbm>> -> memref<128xf32, #tpu.memory_space<hbm>>
      %dma_start3A_749 = tpu.memref_slice %arg11[%mul3A_2] : memref<4096xf32, #tpu.memory_space<hbm>> -> memref<128xf32, #tpu.memory_space<hbm>>
      tpu.enqueue_dma source(%dma_start3A_749 : memref<128xf32, #tpu.memory_space<hbm>>) target(%arg23 : memref<128xf32, #tpu.memory_space<vmem>>) target_semaphore(%run_scoped3A : memref<!tpu.dma_semaphore, #tpu.memory_space<semaphore_mem>>)
      %dma_wait3A_750 = tpu.memref_slice %arg11[%mul3A_2] : memref<4096xf32, #tpu.memory_space<hbm>> -> memref<128xf32, #tpu.memory_space<hbm>>
      %dma_wait3A_751 = tpu.memref_slice %arg11[%mul3A_2] : memref<4096xf32, #tpu.memory_space<hbm>> -> memref<128xf32, #tpu.memory_space<hbm>>
      tpu.wait_dma2 semaphore(%run_scoped3A : memref<!tpu.dma_semaphore, #tpu.memory_space<semaphore_mem>>) src(%dma_wait3A_751 : memref<128xf32, #tpu.memory_space<hbm>>) dst(%arg23 : memref<128xf32, #tpu.memory_space<vmem>>)
      tpu.yield
    }) : () -> ()
    "tpu.region"() ({
      %run_scoped3A = tpu.sem_alloc : memref<!tpu.dma_semaphore, #tpu.memory_space<semaphore_mem>>
      %dma_start3A_748 = tpu.memref_slice %arg12[%mul3A_2] : memref<4096xf32, #tpu.memory_space<hbm>> -> memref<128xf32, #tpu.memory_space<hbm>>
      %dma_start3A_749 = tpu.memref_slice %arg12[%mul3A_2] : memref<4096xf32, #tpu.memory_space<hbm>> -> memref<128xf32, #tpu.memory_space<hbm>>
      tpu.enqueue_dma source(%dma_start3A_749 : memref<128xf32, #tpu.memory_space<hbm>>) target(%arg24 : memref<128xf32, #tpu.memory_space<vmem>>) target_semaphore(%run_scoped3A : memref<!tpu.dma_semaphore, #tpu.memory_space<semaphore_mem>>)
      %dma_wait3A_750 = tpu.memref_slice %arg12[%mul3A_2] : memref<4096xf32, #tpu.memory_space<hbm>> -> memref<128xf32, #tpu.memory_space<hbm>>
      %dma_wait3A_751 = tpu.memref_slice %arg12[%mul3A_2] : memref<4096xf32, #tpu.memory_space<hbm>> -> memref<128xf32, #tpu.memory_space<hbm>>
      tpu.wait_dma2 semaphore(%run_scoped3A : memref<!tpu.dma_semaphore, #tpu.memory_space<semaphore_mem>>) src(%dma_wait3A_751 : memref<128xf32, #tpu.memory_space<hbm>>) dst(%arg24 : memref<128xf32, #tpu.memory_space<vmem>>)
      tpu.yield
    }) : () -> ()
    %dma_start3A = arith.constant 0 : i32
    %dma_start3A_3 = tpu.memref_slice %arg2[%dma_start3A] : memref<16384xf32, #tpu.memory_space<hbm>> -> memref<16384xf32, #tpu.memory_space<hbm>>
    tpu.enqueue_indirect_dma source(%dma_start3A_3 : memref<16384xf32, #tpu.memory_space<hbm>>) target(%arg15 : memref<128xf32, #tpu.memory_space<vmem>>) offsets(%arg14 : memref<128xi32, #tpu.memory_space<vmem>>) semaphore(%arg26 : memref<!tpu.dma_semaphore, #tpu.memory_space<semaphore_mem>>)
    %dma_start3A_4 = arith.constant 0 : i32
    %dma_start3A_5 = tpu.memref_slice %arg3[%dma_start3A_4] : memref<16384xf32, #tpu.memory_space<hbm>> -> memref<16384xf32, #tpu.memory_space<hbm>>
    tpu.enqueue_indirect_dma source(%dma_start3A_5 : memref<16384xf32, #tpu.memory_space<hbm>>) target(%arg16 : memref<128xf32, #tpu.memory_space<vmem>>) offsets(%arg14 : memref<128xi32, #tpu.memory_space<vmem>>) semaphore(%arg26 : memref<!tpu.dma_semaphore, #tpu.memory_space<semaphore_mem>>)
    %dma_start3A_6 = arith.constant 0 : i32
    %dma_start3A_7 = tpu.memref_slice %arg4[%dma_start3A_6] : memref<16384xf32, #tpu.memory_space<hbm>> -> memref<16384xf32, #tpu.memory_space<hbm>>
    tpu.enqueue_indirect_dma source(%dma_start3A_7 : memref<16384xf32, #tpu.memory_space<hbm>>) target(%arg17 : memref<128xf32, #tpu.memory_space<vmem>>) offsets(%arg14 : memref<128xi32, #tpu.memory_space<vmem>>) semaphore(%arg26 : memref<!tpu.dma_semaphore, #tpu.memory_space<semaphore_mem>>)
    %dma_start3A_8 = arith.constant 0 : i32
    %dma_start3A_9 = tpu.memref_slice %arg5[%dma_start3A_8] : memref<16384xf32, #tpu.memory_space<hbm>> -> memref<16384xf32, #tpu.memory_space<hbm>>
    tpu.enqueue_indirect_dma source(%dma_start3A_9 : memref<16384xf32, #tpu.memory_space<hbm>>) target(%arg18 : memref<128xf32, #tpu.memory_space<vmem>>) offsets(%arg14 : memref<128xi32, #tpu.memory_space<vmem>>) semaphore(%arg26 : memref<!tpu.dma_semaphore, #tpu.memory_space<semaphore_mem>>)
    %dma_start3A_10 = arith.constant 0 : i32
    %dma_start3A_11 = tpu.memref_slice %arg6[%dma_start3A_10] : memref<16384xf32, #tpu.memory_space<hbm>> -> memref<16384xf32, #tpu.memory_space<hbm>>
    tpu.enqueue_indirect_dma source(%dma_start3A_11 : memref<16384xf32, #tpu.memory_space<hbm>>) target(%arg19 : memref<128xf32, #tpu.memory_space<vmem>>) offsets(%arg14 : memref<128xi32, #tpu.memory_space<vmem>>) semaphore(%arg26 : memref<!tpu.dma_semaphore, #tpu.memory_space<semaphore_mem>>)
    %dma_start3A_12 = arith.constant 0 : i32
    %dma_start3A_13 = tpu.memref_slice %arg7[%dma_start3A_12] : memref<16384xf32, #tpu.memory_space<hbm>> -> memref<16384xf32, #tpu.memory_space<hbm>>
    tpu.enqueue_indirect_dma source(%dma_start3A_13 : memref<16384xf32, #tpu.memory_space<hbm>>) target(%arg20 : memref<128xf32, #tpu.memory_space<vmem>>) offsets(%arg14 : memref<128xi32, #tpu.memory_space<vmem>>) semaphore(%arg26 : memref<!tpu.dma_semaphore, #tpu.memory_space<semaphore_mem>>)
    %dma_wait3A = arith.constant 0 : i32
    %dma_wait3A_14 = tpu.memref_slice %arg2[%dma_wait3A] : memref<16384xf32, #tpu.memory_space<hbm>> -> memref<16384xf32, #tpu.memory_space<hbm>>
    tpu.wait_indirect_dma semaphore(%arg26 : memref<!tpu.dma_semaphore, #tpu.memory_space<semaphore_mem>>) src(%dma_wait3A_14 : memref<16384xf32, #tpu.memory_space<hbm>>) dst(%arg15 : memref<128xf32, #tpu.memory_space<vmem>>)
    %dma_wait3A_15 = arith.constant 0 : i32
    %dma_wait3A_16 = tpu.memref_slice %arg3[%dma_wait3A_15] : memref<16384xf32, #tpu.memory_space<hbm>> -> memref<16384xf32, #tpu.memory_space<hbm>>
    tpu.wait_indirect_dma semaphore(%arg26 : memref<!tpu.dma_semaphore, #tpu.memory_space<semaphore_mem>>) src(%dma_wait3A_16 : memref<16384xf32, #tpu.memory_space<hbm>>) dst(%arg16 : memref<128xf32, #tpu.memory_space<vmem>>)
    %dma_wait3A_17 = arith.constant 0 : i32
    %dma_wait3A_18 = tpu.memref_slice %arg4[%dma_wait3A_17] : memref<16384xf32, #tpu.memory_space<hbm>> -> memref<16384xf32, #tpu.memory_space<hbm>>
    tpu.wait_indirect_dma semaphore(%arg26 : memref<!tpu.dma_semaphore, #tpu.memory_space<semaphore_mem>>) src(%dma_wait3A_18 : memref<16384xf32, #tpu.memory_space<hbm>>) dst(%arg17 : memref<128xf32, #tpu.memory_space<vmem>>)
    %dma_wait3A_19 = arith.constant 0 : i32
    %dma_wait3A_20 = tpu.memref_slice %arg5[%dma_wait3A_19] : memref<16384xf32, #tpu.memory_space<hbm>> -> memref<16384xf32, #tpu.memory_space<hbm>>
    tpu.wait_indirect_dma semaphore(%arg26 : memref<!tpu.dma_semaphore, #tpu.memory_space<semaphore_mem>>) src(%dma_wait3A_20 : memref<16384xf32, #tpu.memory_space<hbm>>) dst(%arg18 : memref<128xf32, #tpu.memory_space<vmem>>)
    %dma_wait3A_21 = arith.constant 0 : i32
    %dma_wait3A_22 = tpu.memref_slice %arg6[%dma_wait3A_21] : memref<16384xf32, #tpu.memory_space<hbm>> -> memref<16384xf32, #tpu.memory_space<hbm>>
    tpu.wait_indirect_dma semaphore(%arg26 : memref<!tpu.dma_semaphore, #tpu.memory_space<semaphore_mem>>) src(%dma_wait3A_22 : memref<16384xf32, #tpu.memory_space<hbm>>) dst(%arg19 : memref<128xf32, #tpu.memory_space<vmem>>)
    %dma_wait3A_23 = arith.constant 0 : i32
    %dma_wait3A_24 = tpu.memref_slice %arg7[%dma_wait3A_23] : memref<16384xf32, #tpu.memory_space<hbm>> -> memref<16384xf32, #tpu.memory_space<hbm>>
    tpu.wait_indirect_dma semaphore(%arg26 : memref<!tpu.dma_semaphore, #tpu.memory_space<semaphore_mem>>) src(%dma_wait3A_24 : memref<16384xf32, #tpu.memory_space<hbm>>) dst(%arg20 : memref<128xf32, #tpu.memory_space<vmem>>)
    %broadcast_in_dim3A = arith.constant 0.000000e+00 : f32
    %broadcast_in_dim3A_25 = vector.broadcast %broadcast_in_dim3A : f32 to vector<16xf32>
    %broadcast_in_dim3A_26 = arith.constant 0.000000e+00 : f32
    %broadcast_in_dim3A_27 = vector.broadcast %broadcast_in_dim3A_26 : f32 to vector<16xf32>
    %get3A = arith.constant 0 : index
    %get3A_28 = tpu.vector_load %arg21[%get3A] {strides = array<i32>} : memref<128xf32, #tpu.memory_space<vmem>>, vector<16xf32>,
    %get3A_29 = vector.shape_cast %get3A_28 : vector<16xf32> to vector<16xf32>
    %get3A_30 = arith.constant 0 : index
    %get3A_31 = tpu.vector_load %arg15[%get3A_30] {strides = array<i32>} : memref<128xf32, #tpu.memory_space<vmem>>, vector<16xf32>,
    %get3A_32 = vector.shape_cast %get3A_31 : vector<16xf32> to vector<16xf32>
    %sub3A = arith.subf %get3A_29, %get3A_32 : vector<16xf32>
    %get3A_33 = arith.constant 0 : index
    %get3A_34 = tpu.vector_load %arg18[%get3A_33] {strides = array<i32>} : memref<128xf32, #tpu.memory_space<vmem>>, vector<16xf32>,
    %get3A_35 = vector.shape_cast %get3A_34 : vector<16xf32> to vector<16xf32>
    %exp3A = math.exp %get3A_35 : vector<16xf32>
    %add3A_36 = arith.constant 9.99999997E-7 : f32
    %add3A_37 = vector.broadcast %add3A_36 : f32 to vector<16xf32>
    %add3A_38 = arith.addf %exp3A, %add3A_37 : vector<16xf32>
    %div3A = arith.divf %sub3A, %add3A_38 : vector<16xf32>
    %mul3A_39 = arith.mulf %div3A, %div3A : vector<16xf32>
    %add3A_40 = arith.addf %broadcast_in_dim3A_27, %mul3A_39 : vector<16xf32>
    %get3A_41 = arith.constant 0 : index
    %get3A_42 = tpu.vector_load %arg22[%get3A_41] {strides = array<i32>} : memref<128xf32, #tpu.memory_space<vmem>>, vector<16xf32>,
    %get3A_43 = vector.shape_cast %get3A_42 : vector<16xf32> to vector<16xf32>
    %get3A_44 = arith.constant 0 : index
    %get3A_45 = tpu.vector_load %arg16[%get3A_44] {strides = array<i32>} : memref<128xf32, #tpu.memory_space<vmem>>, vector<16xf32>,
    %get3A_46 = vector.shape_cast %get3A_45 : vector<16xf32> to vector<16xf32>
    %sub3A_47 = arith.subf %get3A_43, %get3A_46 : vector<16xf32>
    %get3A_48 = arith.constant 0 : index
    %get3A_49 = tpu.vector_load %arg19[%get3A_48] {strides = array<i32>} : memref<128xf32, #tpu.memory_space<vmem>>, vector<16xf32>,
    %get3A_50 = vector.shape_cast %get3A_49 : vector<16xf32> to vector<16xf32>
    %exp3A_51 = math.exp %get3A_50 : vector<16xf32>
    %add3A_52 = arith.constant 9.99999997E-7 : f32
    %add3A_53 = vector.broadcast %add3A_52 : f32 to vector<16xf32>
    %add3A_54 = arith.addf %exp3A_51, %add3A_53 : vector<16xf32>
    %div3A_55 = arith.divf %sub3A_47, %add3A_54 : vector<16xf32>
    %mul3A_56 = arith.mulf %div3A_55, %div3A_55 : vector<16xf32>
    %add3A_57 = arith.addf %add3A_40, %mul3A_56 : vector<16xf32>
    %get3A_58 = arith.constant 0 : index
    %get3A_59 = tpu.vector_load %arg23[%get3A_58] {strides = array<i32>} : memref<128xf32, #tpu.memory_space<vmem>>, vector<16xf32>,
    %get3A_60 = vector.shape_cast %get3A_59 : vector<16xf32> to vector<16xf32>
    %get3A_61 = arith.constant 0 : index
    %get3A_62 = tpu.vector_load %arg17[%get3A_61] {strides = array<i32>} : memref<128xf32, #tpu.memory_space<vmem>>, vector<16xf32>,
    %get3A_63 = vector.shape_cast %get3A_62 : vector<16xf32> to vector<16xf32>
    %sub3A_64 = arith.subf %get3A_60, %get3A_63 : vector<16xf32>
    %get3A_65 = arith.constant 0 : index
    %get3A_66 = tpu.vector_load %arg20[%get3A_65] {strides = array<i32>} : memref<128xf32, #tpu.memory_space<vmem>>, vector<16xf32>,
    %get3A_67 = vector.shape_cast %get3A_66 : vector<16xf32> to vector<16xf32>
    %exp3A_68 = math.exp %get3A_67 : vector<16xf32>
    %add3A_69 = arith.constant 9.99999997E-7 : f32
    %add3A_70 = vector.broadcast %add3A_69 : f32 to vector<16xf32>
    %add3A_71 = arith.addf %exp3A_68, %add3A_70 : vector<16xf32>
    %div3A_72 = arith.divf %sub3A_64, %add3A_71 : vector<16xf32>
    %mul3A_73 = arith.mulf %div3A_72, %div3A_72 : vector<16xf32>
    %add3A_74 = arith.addf %add3A_57, %mul3A_73 : vector<16xf32>
    %bitcast_convert_type3A = tpu.bitcast %add3A_74 : vector<16xf32> -> vector<16xi32>
    %shift_right_arithmetic3A = arith.constant 1 : i32
    %shift_right_arithmetic3A_75 = vector.broadcast %shift_right_arithmetic3A : i32 to vector<16xi32>
    %shift_right_arithmetic3A_76 = arith.shrsi %bitcast_convert_type3A, %shift_right_arithmetic3A_75 : vector<16xi32>
    %add3A_77 = arith.constant 532487669 : i32
    %add3A_78 = vector.broadcast %add3A_77 : i32 to vector<16xi32>
    %add3A_79 = arith.addi %shift_right_arithmetic3A_76, %add3A_78 : vector<16xi32>
    %bitcast_convert_type3A_80 = tpu.bitcast %add3A_79 : vector<16xi32> -> vector<16xf32>
    %div3A_81 = arith.divf %add3A_74, %bitcast_convert_type3A_80 : vector<16xf32>
    %add3A_82 = arith.addf %bitcast_convert_type3A_80, %div3A_81 : vector<16xf32>
    %mul3A_83 = arith.constant 5.000000e-01 : f32
    %mul3A_84 = vector.broadcast %mul3A_83 : f32 to vector<16xf32>
    %mul3A_85 = arith.mulf %mul3A_84, %add3A_82 : vector<16xf32>
    %div3A_86 = arith.divf %add3A_74, %mul3A_85 : vector<16xf32>
    %add3A_87 = arith.addf %mul3A_85, %div3A_86 : vector<16xf32>
    %mul3A_88 = arith.constant 5.000000e-01 : f32
    %mul3A_89 = vector.broadcast %mul3A_88 : f32 to vector<16xf32>
    %mul3A_90 = arith.mulf %mul3A_89, %add3A_87 : vector<16xf32>
    %div3A_91 = arith.divf %add3A_74, %mul3A_90 : vector<16xf32>
    %add3A_92 = arith.addf %mul3A_90, %div3A_91 : vector<16xf32>
    %mul3A_93 = arith.constant 5.000000e-01 : f32
    %mul3A_94 = vector.broadcast %mul3A_93 : f32 to vector<16xf32>
    %mul3A_95 = arith.mulf %mul3A_94, %add3A_92 : vector<16xf32>
    %sub3A_96 = arith.constant 1.000000e+00 : f32
    %sub3A_97 = vector.broadcast %sub3A_96 : f32 to vector<16xf32>
    %sub3A_98 = arith.subf %mul3A_95, %sub3A_97 : vector<16xf32>
    %get3A_99 = arith.constant 0 : index
    %get3A_100 = tpu.vector_load %arg24[%get3A_99] {strides = array<i32>} : memref<128xf32, #tpu.memory_space<vmem>>, vector<16xf32>,
    %get3A_101 = vector.shape_cast %get3A_100 : vector<16xf32> to vector<16xf32>
    %jit3A = arith.constant 0.000000e+00 : f32
    %jit3A_102 = arith.constant 1.000000e+00 : f32
    %max3A = vector.broadcast %jit3A : f32 to vector<16xf32>
    %max3A_103 = arith.maximumf %max3A, %get3A_101 : vector<16xf32>
    %min3A = vector.broadcast %jit3A_102 : f32 to vector<16xf32>
    %min3A_104 = arith.minimumf %min3A, %max3A_103 : vector<16xf32>
    %mul3A_105 = arith.mulf %sub3A_98, %sub3A_98 : vector<16xf32>
    %mul3A_106 = arith.mulf %mul3A_105, %min3A_104 : vector<16xf32>
    %add3A_107 = arith.addf %broadcast_in_dim3A_25, %mul3A_106 : vector<16xf32>
    %broadcast_in_dim3A_108 = arith.constant 0.000000e+00 : f32
    %broadcast_in_dim3A_109 = vector.broadcast %broadcast_in_dim3A_108 : f32 to vector<16xf32>
    %get3A_110 = arith.constant 16 : index
    %get3A_111 = tpu.vector_load %arg21[%get3A_110] {strides = array<i32>} : memref<128xf32, #tpu.memory_space<vmem>>, vector<16xf32>,
    %get3A_112 = vector.shape_cast %get3A_111 : vector<16xf32> to vector<16xf32>
    %get3A_113 = arith.constant 16 : index
    %get3A_114 = tpu.vector_load %arg15[%get3A_113] {strides = array<i32>} : memref<128xf32, #tpu.memory_space<vmem>>, vector<16xf32>,
    %get3A_115 = vector.shape_cast %get3A_114 : vector<16xf32> to vector<16xf32>
    %sub3A_116 = arith.subf %get3A_112, %get3A_115 : vector<16xf32>
    %get3A_117 = arith.constant 16 : index
    %get3A_118 = tpu.vector_load %arg18[%get3A_117] {strides = array<i32>} : memref<128xf32, #tpu.memory_space<vmem>>, vector<16xf32>,
    %get3A_119 = vector.shape_cast %get3A_118 : vector<16xf32> to vector<16xf32>
    %exp3A_120 = math.exp %get3A_119 : vector<16xf32>
    %add3A_121 = arith.constant 9.99999997E-7 : f32
    %add3A_122 = vector.broadcast %add3A_121 : f32 to vector<16xf32>
    %add3A_123 = arith.addf %exp3A_120, %add3A_122 : vector<16xf32>
    %div3A_124 = arith.divf %sub3A_116, %add3A_123 : vector<16xf32>
    %mul3A_125 = arith.mulf %div3A_124, %div3A_124 : vector<16xf32>
    %add3A_126 = arith.addf %broadcast_in_dim3A_109, %mul3A_125 : vector<16xf32>
    %get3A_127 = arith.constant 16 : index
    %get3A_128 = tpu.vector_load %arg22[%get3A_127] {strides = array<i32>} : memref<128xf32, #tpu.memory_space<vmem>>, vector<16xf32>,
    %get3A_129 = vector.shape_cast %get3A_128 : vector<16xf32> to vector<16xf32>
    %get3A_130 = arith.constant 16 : index
    %get3A_131 = tpu.vector_load %arg16[%get3A_130] {strides = array<i32>} : memref<128xf32, #tpu.memory_space<vmem>>, vector<16xf32>,
    %get3A_132 = vector.shape_cast %get3A_131 : vector<16xf32> to vector<16xf32>
    %sub3A_133 = arith.subf %get3A_129, %get3A_132 : vector<16xf32>
    %get3A_134 = arith.constant 16 : index
    %get3A_135 = tpu.vector_load %arg19[%get3A_134] {strides = array<i32>} : memref<128xf32, #tpu.memory_space<vmem>>, vector<16xf32>,
    %get3A_136 = vector.shape_cast %get3A_135 : vector<16xf32> to vector<16xf32>
    %exp3A_137 = math.exp %get3A_136 : vector<16xf32>
    %add3A_138 = arith.constant 9.99999997E-7 : f32
    %add3A_139 = vector.broadcast %add3A_138 : f32 to vector<16xf32>
    %add3A_140 = arith.addf %exp3A_137, %add3A_139 : vector<16xf32>
    %div3A_141 = arith.divf %sub3A_133, %add3A_140 : vector<16xf32>
    %mul3A_142 = arith.mulf %div3A_141, %div3A_141 : vector<16xf32>
    %add3A_143 = arith.addf %add3A_126, %mul3A_142 : vector<16xf32>
    %get3A_144 = arith.constant 16 : index
    %get3A_145 = tpu.vector_load %arg23[%get3A_144] {strides = array<i32>} : memref<128xf32, #tpu.memory_space<vmem>>, vector<16xf32>,
    %get3A_146 = vector.shape_cast %get3A_145 : vector<16xf32> to vector<16xf32>
    %get3A_147 = arith.constant 16 : index
    %get3A_148 = tpu.vector_load %arg17[%get3A_147] {strides = array<i32>} : memref<128xf32, #tpu.memory_space<vmem>>, vector<16xf32>,
    %get3A_149 = vector.shape_cast %get3A_148 : vector<16xf32> to vector<16xf32>
    %sub3A_150 = arith.subf %get3A_146, %get3A_149 : vector<16xf32>
    %get3A_151 = arith.constant 16 : index
    %get3A_152 = tpu.vector_load %arg20[%get3A_151] {strides = array<i32>} : memref<128xf32, #tpu.memory_space<vmem>>, vector<16xf32>,
    %get3A_153 = vector.shape_cast %get3A_152 : vector<16xf32> to vector<16xf32>
    %exp3A_154 = math.exp %get3A_153 : vector<16xf32>
    %add3A_155 = arith.constant 9.99999997E-7 : f32
    %add3A_156 = vector.broadcast %add3A_155 : f32 to vector<16xf32>
    %add3A_157 = arith.addf %exp3A_154, %add3A_156 : vector<16xf32>
    %div3A_158 = arith.divf %sub3A_150, %add3A_157 : vector<16xf32>
    %mul3A_159 = arith.mulf %div3A_158, %div3A_158 : vector<16xf32>
    %add3A_160 = arith.addf %add3A_143, %mul3A_159 : vector<16xf32>
    %bitcast_convert_type3A_161 = tpu.bitcast %add3A_160 : vector<16xf32> -> vector<16xi32>
    %shift_right_arithmetic3A_162 = arith.constant 1 : i32
    %shift_right_arithmetic3A_163 = vector.broadcast %shift_right_arithmetic3A_162 : i32 to vector<16xi32>
    %shift_right_arithmetic3A_164 = arith.shrsi %bitcast_convert_type3A_161, %shift_right_arithmetic3A_163 : vector<16xi32>
    %add3A_165 = arith.constant 532487669 : i32
    %add3A_166 = vector.broadcast %add3A_165 : i32 to vector<16xi32>
    %add3A_167 = arith.addi %shift_right_arithmetic3A_164, %add3A_166 : vector<16xi32>
    %bitcast_convert_type3A_168 = tpu.bitcast %add3A_167 : vector<16xi32> -> vector<16xf32>
    %div3A_169 = arith.divf %add3A_160, %bitcast_convert_type3A_168 : vector<16xf32>
    %add3A_170 = arith.addf %bitcast_convert_type3A_168, %div3A_169 : vector<16xf32>
    %mul3A_171 = arith.constant 5.000000e-01 : f32
    %mul3A_172 = vector.broadcast %mul3A_171 : f32 to vector<16xf32>
    %mul3A_173 = arith.mulf %mul3A_172, %add3A_170 : vector<16xf32>
    %div3A_174 = arith.divf %add3A_160, %mul3A_173 : vector<16xf32>
    %add3A_175 = arith.addf %mul3A_173, %div3A_174 : vector<16xf32>
    %mul3A_176 = arith.constant 5.000000e-01 : f32
    %mul3A_177 = vector.broadcast %mul3A_176 : f32 to vector<16xf32>
    %mul3A_178 = arith.mulf %mul3A_177, %add3A_175 : vector<16xf32>
    %div3A_179 = arith.divf %add3A_160, %mul3A_178 : vector<16xf32>
    %add3A_180 = arith.addf %mul3A_178, %div3A_179 : vector<16xf32>
    %mul3A_181 = arith.constant 5.000000e-01 : f32
    %mul3A_182 = vector.broadcast %mul3A_181 : f32 to vector<16xf32>
    %mul3A_183 = arith.mulf %mul3A_182, %add3A_180 : vector<16xf32>
    %sub3A_184 = arith.constant 1.000000e+00 : f32
    %sub3A_185 = vector.broadcast %sub3A_184 : f32 to vector<16xf32>
    %sub3A_186 = arith.subf %mul3A_183, %sub3A_185 : vector<16xf32>
    %get3A_187 = arith.constant 16 : index
    %get3A_188 = tpu.vector_load %arg24[%get3A_187] {strides = array<i32>} : memref<128xf32, #tpu.memory_space<vmem>>, vector<16xf32>,
    %get3A_189 = vector.shape_cast %get3A_188 : vector<16xf32> to vector<16xf32>
    %jit3A_190 = arith.constant 0.000000e+00 : f32
    %jit3A_191 = arith.constant 1.000000e+00 : f32
    %max3A_192 = vector.broadcast %jit3A_190 : f32 to vector<16xf32>
    %max3A_193 = arith.maximumf %max3A_192, %get3A_189 : vector<16xf32>
    %min3A_194 = vector.broadcast %jit3A_191 : f32 to vector<16xf32>
    %min3A_195 = arith.minimumf %min3A_194, %max3A_193 : vector<16xf32>
    %mul3A_196 = arith.mulf %sub3A_186, %sub3A_186 : vector<16xf32>
    %mul3A_197 = arith.mulf %mul3A_196, %min3A_195 : vector<16xf32>
    %add3A_198 = arith.addf %add3A_107, %mul3A_197 : vector<16xf32>
    %broadcast_in_dim3A_199 = arith.constant 0.000000e+00 : f32
    %broadcast_in_dim3A_200 = vector.broadcast %broadcast_in_dim3A_199 : f32 to vector<16xf32>
    %get3A_201 = arith.constant 32 : index
    %get3A_202 = tpu.vector_load %arg21[%get3A_201] {strides = array<i32>} : memref<128xf32, #tpu.memory_space<vmem>>, vector<16xf32>,
    %get3A_203 = vector.shape_cast %get3A_202 : vector<16xf32> to vector<16xf32>
    %get3A_204 = arith.constant 32 : index
    %get3A_205 = tpu.vector_load %arg15[%get3A_204] {strides = array<i32>} : memref<128xf32, #tpu.memory_space<vmem>>, vector<16xf32>,
    %get3A_206 = vector.shape_cast %get3A_205 : vector<16xf32> to vector<16xf32>
    %sub3A_207 = arith.subf %get3A_203, %get3A_206 : vector<16xf32>
    %get3A_208 = arith.constant 32 : index
    %get3A_209 = tpu.vector_load %arg18[%get3A_208] {strides = array<i32>} : memref<128xf32, #tpu.memory_space<vmem>>, vector<16xf32>,
    %get3A_210 = vector.shape_cast %get3A_209 : vector<16xf32> to vector<16xf32>
    %exp3A_211 = math.exp %get3A_210 : vector<16xf32>
    %add3A_212 = arith.constant 9.99999997E-7 : f32
    %add3A_213 = vector.broadcast %add3A_212 : f32 to vector<16xf32>
    %add3A_214 = arith.addf %exp3A_211, %add3A_213 : vector<16xf32>
    %div3A_215 = arith.divf %sub3A_207, %add3A_214 : vector<16xf32>
    %mul3A_216 = arith.mulf %div3A_215, %div3A_215 : vector<16xf32>
    %add3A_217 = arith.addf %broadcast_in_dim3A_200, %mul3A_216 : vector<16xf32>
    %get3A_218 = arith.constant 32 : index
    %get3A_219 = tpu.vector_load %arg22[%get3A_218] {strides = array<i32>} : memref<128xf32, #tpu.memory_space<vmem>>, vector<16xf32>,
    %get3A_220 = vector.shape_cast %get3A_219 : vector<16xf32> to vector<16xf32>
    %get3A_221 = arith.constant 32 : index
    %get3A_222 = tpu.vector_load %arg16[%get3A_221] {strides = array<i32>} : memref<128xf32, #tpu.memory_space<vmem>>, vector<16xf32>,
    %get3A_223 = vector.shape_cast %get3A_222 : vector<16xf32> to vector<16xf32>
    %sub3A_224 = arith.subf %get3A_220, %get3A_223 : vector<16xf32>
    %get3A_225 = arith.constant 32 : index
    %get3A_226 = tpu.vector_load %arg19[%get3A_225] {strides = array<i32>} : memref<128xf32, #tpu.memory_space<vmem>>, vector<16xf32>,
    %get3A_227 = vector.shape_cast %get3A_226 : vector<16xf32> to vector<16xf32>
    %exp3A_228 = math.exp %get3A_227 : vector<16xf32>
    %add3A_229 = arith.constant 9.99999997E-7 : f32
    %add3A_230 = vector.broadcast %add3A_229 : f32 to vector<16xf32>
    %add3A_231 = arith.addf %exp3A_228, %add3A_230 : vector<16xf32>
    %div3A_232 = arith.divf %sub3A_224, %add3A_231 : vector<16xf32>
    %mul3A_233 = arith.mulf %div3A_232, %div3A_232 : vector<16xf32>
    %add3A_234 = arith.addf %add3A_217, %mul3A_233 : vector<16xf32>
    %get3A_235 = arith.constant 32 : index
    %get3A_236 = tpu.vector_load %arg23[%get3A_235] {strides = array<i32>} : memref<128xf32, #tpu.memory_space<vmem>>, vector<16xf32>,
    %get3A_237 = vector.shape_cast %get3A_236 : vector<16xf32> to vector<16xf32>
    %get3A_238 = arith.constant 32 : index
    %get3A_239 = tpu.vector_load %arg17[%get3A_238] {strides = array<i32>} : memref<128xf32, #tpu.memory_space<vmem>>, vector<16xf32>,
    %get3A_240 = vector.shape_cast %get3A_239 : vector<16xf32> to vector<16xf32>
    %sub3A_241 = arith.subf %get3A_237, %get3A_240 : vector<16xf32>
    %get3A_242 = arith.constant 32 : index
    %get3A_243 = tpu.vector_load %arg20[%get3A_242] {strides = array<i32>} : memref<128xf32, #tpu.memory_space<vmem>>, vector<16xf32>,
    %get3A_244 = vector.shape_cast %get3A_243 : vector<16xf32> to vector<16xf32>
    %exp3A_245 = math.exp %get3A_244 : vector<16xf32>
    %add3A_246 = arith.constant 9.99999997E-7 : f32
    %add3A_247 = vector.broadcast %add3A_246 : f32 to vector<16xf32>
    %add3A_248 = arith.addf %exp3A_245, %add3A_247 : vector<16xf32>
    %div3A_249 = arith.divf %sub3A_241, %add3A_248 : vector<16xf32>
    %mul3A_250 = arith.mulf %div3A_249, %div3A_249 : vector<16xf32>
    %add3A_251 = arith.addf %add3A_234, %mul3A_250 : vector<16xf32>
    %bitcast_convert_type3A_252 = tpu.bitcast %add3A_251 : vector<16xf32> -> vector<16xi32>
    %shift_right_arithmetic3A_253 = arith.constant 1 : i32
    %shift_right_arithmetic3A_254 = vector.broadcast %shift_right_arithmetic3A_253 : i32 to vector<16xi32>
    %shift_right_arithmetic3A_255 = arith.shrsi %bitcast_convert_type3A_252, %shift_right_arithmetic3A_254 : vector<16xi32>
    %add3A_256 = arith.constant 532487669 : i32
    %add3A_257 = vector.broadcast %add3A_256 : i32 to vector<16xi32>
    %add3A_258 = arith.addi %shift_right_arithmetic3A_255, %add3A_257 : vector<16xi32>
    %bitcast_convert_type3A_259 = tpu.bitcast %add3A_258 : vector<16xi32> -> vector<16xf32>
    %div3A_260 = arith.divf %add3A_251, %bitcast_convert_type3A_259 : vector<16xf32>
    %add3A_261 = arith.addf %bitcast_convert_type3A_259, %div3A_260 : vector<16xf32>
    %mul3A_262 = arith.constant 5.000000e-01 : f32
    %mul3A_263 = vector.broadcast %mul3A_262 : f32 to vector<16xf32>
    %mul3A_264 = arith.mulf %mul3A_263, %add3A_261 : vector<16xf32>
    %div3A_265 = arith.divf %add3A_251, %mul3A_264 : vector<16xf32>
    %add3A_266 = arith.addf %mul3A_264, %div3A_265 : vector<16xf32>
    %mul3A_267 = arith.constant 5.000000e-01 : f32
    %mul3A_268 = vector.broadcast %mul3A_267 : f32 to vector<16xf32>
    %mul3A_269 = arith.mulf %mul3A_268, %add3A_266 : vector<16xf32>
    %div3A_270 = arith.divf %add3A_251, %mul3A_269 : vector<16xf32>
    %add3A_271 = arith.addf %mul3A_269, %div3A_270 : vector<16xf32>
    %mul3A_272 = arith.constant 5.000000e-01 : f32
    %mul3A_273 = vector.broadcast %mul3A_272 : f32 to vector<16xf32>
    %mul3A_274 = arith.mulf %mul3A_273, %add3A_271 : vector<16xf32>
    %sub3A_275 = arith.constant 1.000000e+00 : f32
    %sub3A_276 = vector.broadcast %sub3A_275 : f32 to vector<16xf32>
    %sub3A_277 = arith.subf %mul3A_274, %sub3A_276 : vector<16xf32>
    %get3A_278 = arith.constant 32 : index
    %get3A_279 = tpu.vector_load %arg24[%get3A_278] {strides = array<i32>} : memref<128xf32, #tpu.memory_space<vmem>>, vector<16xf32>,
    %get3A_280 = vector.shape_cast %get3A_279 : vector<16xf32> to vector<16xf32>
    %jit3A_281 = arith.constant 0.000000e+00 : f32
    %jit3A_282 = arith.constant 1.000000e+00 : f32
    %max3A_283 = vector.broadcast %jit3A_281 : f32 to vector<16xf32>
    %max3A_284 = arith.maximumf %max3A_283, %get3A_280 : vector<16xf32>
    %min3A_285 = vector.broadcast %jit3A_282 : f32 to vector<16xf32>
    %min3A_286 = arith.minimumf %min3A_285, %max3A_284 : vector<16xf32>
    %mul3A_287 = arith.mulf %sub3A_277, %sub3A_277 : vector<16xf32>
    %mul3A_288 = arith.mulf %mul3A_287, %min3A_286 : vector<16xf32>
    %add3A_289 = arith.addf %add3A_198, %mul3A_288 : vector<16xf32>
    %broadcast_in_dim3A_290 = arith.constant 0.000000e+00 : f32
    %broadcast_in_dim3A_291 = vector.broadcast %broadcast_in_dim3A_290 : f32 to vector<16xf32>
    %get3A_292 = arith.constant 48 : index
    %get3A_293 = tpu.vector_load %arg21[%get3A_292] {strides = array<i32>} : memref<128xf32, #tpu.memory_space<vmem>>, vector<16xf32>,
    %get3A_294 = vector.shape_cast %get3A_293 : vector<16xf32> to vector<16xf32>
    %get3A_295 = arith.constant 48 : index
    %get3A_296 = tpu.vector_load %arg15[%get3A_295] {strides = array<i32>} : memref<128xf32, #tpu.memory_space<vmem>>, vector<16xf32>,
    %get3A_297 = vector.shape_cast %get3A_296 : vector<16xf32> to vector<16xf32>
    %sub3A_298 = arith.subf %get3A_294, %get3A_297 : vector<16xf32>
    %get3A_299 = arith.constant 48 : index
    %get3A_300 = tpu.vector_load %arg18[%get3A_299] {strides = array<i32>} : memref<128xf32, #tpu.memory_space<vmem>>, vector<16xf32>,
    %get3A_301 = vector.shape_cast %get3A_300 : vector<16xf32> to vector<16xf32>
    %exp3A_302 = math.exp %get3A_301 : vector<16xf32>
    %add3A_303 = arith.constant 9.99999997E-7 : f32
    %add3A_304 = vector.broadcast %add3A_303 : f32 to vector<16xf32>
    %add3A_305 = arith.addf %exp3A_302, %add3A_304 : vector<16xf32>
    %div3A_306 = arith.divf %sub3A_298, %add3A_305 : vector<16xf32>
    %mul3A_307 = arith.mulf %div3A_306, %div3A_306 : vector<16xf32>
    %add3A_308 = arith.addf %broadcast_in_dim3A_291, %mul3A_307 : vector<16xf32>
    %get3A_309 = arith.constant 48 : index
    %get3A_310 = tpu.vector_load %arg22[%get3A_309] {strides = array<i32>} : memref<128xf32, #tpu.memory_space<vmem>>, vector<16xf32>,
    %get3A_311 = vector.shape_cast %get3A_310 : vector<16xf32> to vector<16xf32>
    %get3A_312 = arith.constant 48 : index
    %get3A_313 = tpu.vector_load %arg16[%get3A_312] {strides = array<i32>} : memref<128xf32, #tpu.memory_space<vmem>>, vector<16xf32>,
    %get3A_314 = vector.shape_cast %get3A_313 : vector<16xf32> to vector<16xf32>
    %sub3A_315 = arith.subf %get3A_311, %get3A_314 : vector<16xf32>
    %get3A_316 = arith.constant 48 : index
    %get3A_317 = tpu.vector_load %arg19[%get3A_316] {strides = array<i32>} : memref<128xf32, #tpu.memory_space<vmem>>, vector<16xf32>,
    %get3A_318 = vector.shape_cast %get3A_317 : vector<16xf32> to vector<16xf32>
    %exp3A_319 = math.exp %get3A_318 : vector<16xf32>
    %add3A_320 = arith.constant 9.99999997E-7 : f32
    %add3A_321 = vector.broadcast %add3A_320 : f32 to vector<16xf32>
    %add3A_322 = arith.addf %exp3A_319, %add3A_321 : vector<16xf32>
    %div3A_323 = arith.divf %sub3A_315, %add3A_322 : vector<16xf32>
    %mul3A_324 = arith.mulf %div3A_323, %div3A_323 : vector<16xf32>
    %add3A_325 = arith.addf %add3A_308, %mul3A_324 : vector<16xf32>
    %get3A_326 = arith.constant 48 : index
    %get3A_327 = tpu.vector_load %arg23[%get3A_326] {strides = array<i32>} : memref<128xf32, #tpu.memory_space<vmem>>, vector<16xf32>,
    %get3A_328 = vector.shape_cast %get3A_327 : vector<16xf32> to vector<16xf32>
    %get3A_329 = arith.constant 48 : index
    %get3A_330 = tpu.vector_load %arg17[%get3A_329] {strides = array<i32>} : memref<128xf32, #tpu.memory_space<vmem>>, vector<16xf32>,
    %get3A_331 = vector.shape_cast %get3A_330 : vector<16xf32> to vector<16xf32>
    %sub3A_332 = arith.subf %get3A_328, %get3A_331 : vector<16xf32>
    %get3A_333 = arith.constant 48 : index
    %get3A_334 = tpu.vector_load %arg20[%get3A_333] {strides = array<i32>} : memref<128xf32, #tpu.memory_space<vmem>>, vector<16xf32>,
    %get3A_335 = vector.shape_cast %get3A_334 : vector<16xf32> to vector<16xf32>
    %exp3A_336 = math.exp %get3A_335 : vector<16xf32>
    %add3A_337 = arith.constant 9.99999997E-7 : f32
    %add3A_338 = vector.broadcast %add3A_337 : f32 to vector<16xf32>
    %add3A_339 = arith.addf %exp3A_336, %add3A_338 : vector<16xf32>
    %div3A_340 = arith.divf %sub3A_332, %add3A_339 : vector<16xf32>
    %mul3A_341 = arith.mulf %div3A_340, %div3A_340 : vector<16xf32>
    %add3A_342 = arith.addf %add3A_325, %mul3A_341 : vector<16xf32>
    %bitcast_convert_type3A_343 = tpu.bitcast %add3A_342 : vector<16xf32> -> vector<16xi32>
    %shift_right_arithmetic3A_344 = arith.constant 1 : i32
    %shift_right_arithmetic3A_345 = vector.broadcast %shift_right_arithmetic3A_344 : i32 to vector<16xi32>
    %shift_right_arithmetic3A_346 = arith.shrsi %bitcast_convert_type3A_343, %shift_right_arithmetic3A_345 : vector<16xi32>
    %add3A_347 = arith.constant 532487669 : i32
    %add3A_348 = vector.broadcast %add3A_347 : i32 to vector<16xi32>
    %add3A_349 = arith.addi %shift_right_arithmetic3A_346, %add3A_348 : vector<16xi32>
    %bitcast_convert_type3A_350 = tpu.bitcast %add3A_349 : vector<16xi32> -> vector<16xf32>
    %div3A_351 = arith.divf %add3A_342, %bitcast_convert_type3A_350 : vector<16xf32>
    %add3A_352 = arith.addf %bitcast_convert_type3A_350, %div3A_351 : vector<16xf32>
    %mul3A_353 = arith.constant 5.000000e-01 : f32
    %mul3A_354 = vector.broadcast %mul3A_353 : f32 to vector<16xf32>
    %mul3A_355 = arith.mulf %mul3A_354, %add3A_352 : vector<16xf32>
    %div3A_356 = arith.divf %add3A_342, %mul3A_355 : vector<16xf32>
    %add3A_357 = arith.addf %mul3A_355, %div3A_356 : vector<16xf32>
    %mul3A_358 = arith.constant 5.000000e-01 : f32
    %mul3A_359 = vector.broadcast %mul3A_358 : f32 to vector<16xf32>
    %mul3A_360 = arith.mulf %mul3A_359, %add3A_357 : vector<16xf32>
    %div3A_361 = arith.divf %add3A_342, %mul3A_360 : vector<16xf32>
    %add3A_362 = arith.addf %mul3A_360, %div3A_361 : vector<16xf32>
    %mul3A_363 = arith.constant 5.000000e-01 : f32
    %mul3A_364 = vector.broadcast %mul3A_363 : f32 to vector<16xf32>
    %mul3A_365 = arith.mulf %mul3A_364, %add3A_362 : vector<16xf32>
    %sub3A_366 = arith.constant 1.000000e+00 : f32
    %sub3A_367 = vector.broadcast %sub3A_366 : f32 to vector<16xf32>
    %sub3A_368 = arith.subf %mul3A_365, %sub3A_367 : vector<16xf32>
    %get3A_369 = arith.constant 48 : index
    %get3A_370 = tpu.vector_load %arg24[%get3A_369] {strides = array<i32>} : memref<128xf32, #tpu.memory_space<vmem>>, vector<16xf32>,
    %get3A_371 = vector.shape_cast %get3A_370 : vector<16xf32> to vector<16xf32>
    %jit3A_372 = arith.constant 0.000000e+00 : f32
    %jit3A_373 = arith.constant 1.000000e+00 : f32
    %max3A_374 = vector.broadcast %jit3A_372 : f32 to vector<16xf32>
    %max3A_375 = arith.maximumf %max3A_374, %get3A_371 : vector<16xf32>
    %min3A_376 = vector.broadcast %jit3A_373 : f32 to vector<16xf32>
    %min3A_377 = arith.minimumf %min3A_376, %max3A_375 : vector<16xf32>
    %mul3A_378 = arith.mulf %sub3A_368, %sub3A_368 : vector<16xf32>
    %mul3A_379 = arith.mulf %mul3A_378, %min3A_377 : vector<16xf32>
    %add3A_380 = arith.addf %add3A_289, %mul3A_379 : vector<16xf32>
    %broadcast_in_dim3A_381 = arith.constant 0.000000e+00 : f32
    %broadcast_in_dim3A_382 = vector.broadcast %broadcast_in_dim3A_381 : f32 to vector<16xf32>
    %get3A_383 = arith.constant 64 : index
    %get3A_384 = tpu.vector_load %arg21[%get3A_383] {strides = array<i32>} : memref<128xf32, #tpu.memory_space<vmem>>, vector<16xf32>,
    %get3A_385 = vector.shape_cast %get3A_384 : vector<16xf32> to vector<16xf32>
    %get3A_386 = arith.constant 64 : index
    %get3A_387 = tpu.vector_load %arg15[%get3A_386] {strides = array<i32>} : memref<128xf32, #tpu.memory_space<vmem>>, vector<16xf32>,
    %get3A_388 = vector.shape_cast %get3A_387 : vector<16xf32> to vector<16xf32>
    %sub3A_389 = arith.subf %get3A_385, %get3A_388 : vector<16xf32>
    %get3A_390 = arith.constant 64 : index
    %get3A_391 = tpu.vector_load %arg18[%get3A_390] {strides = array<i32>} : memref<128xf32, #tpu.memory_space<vmem>>, vector<16xf32>,
    %get3A_392 = vector.shape_cast %get3A_391 : vector<16xf32> to vector<16xf32>
    %exp3A_393 = math.exp %get3A_392 : vector<16xf32>
    %add3A_394 = arith.constant 9.99999997E-7 : f32
    %add3A_395 = vector.broadcast %add3A_394 : f32 to vector<16xf32>
    %add3A_396 = arith.addf %exp3A_393, %add3A_395 : vector<16xf32>
    %div3A_397 = arith.divf %sub3A_389, %add3A_396 : vector<16xf32>
    %mul3A_398 = arith.mulf %div3A_397, %div3A_397 : vector<16xf32>
    %add3A_399 = arith.addf %broadcast_in_dim3A_382, %mul3A_398 : vector<16xf32>
    %get3A_400 = arith.constant 64 : index
    %get3A_401 = tpu.vector_load %arg22[%get3A_400] {strides = array<i32>} : memref<128xf32, #tpu.memory_space<vmem>>, vector<16xf32>,
    %get3A_402 = vector.shape_cast %get3A_401 : vector<16xf32> to vector<16xf32>
    %get3A_403 = arith.constant 64 : index
    %get3A_404 = tpu.vector_load %arg16[%get3A_403] {strides = array<i32>} : memref<128xf32, #tpu.memory_space<vmem>>, vector<16xf32>,
    %get3A_405 = vector.shape_cast %get3A_404 : vector<16xf32> to vector<16xf32>
    %sub3A_406 = arith.subf %get3A_402, %get3A_405 : vector<16xf32>
    %get3A_407 = arith.constant 64 : index
    %get3A_408 = tpu.vector_load %arg19[%get3A_407] {strides = array<i32>} : memref<128xf32, #tpu.memory_space<vmem>>, vector<16xf32>,
    %get3A_409 = vector.shape_cast %get3A_408 : vector<16xf32> to vector<16xf32>
    %exp3A_410 = math.exp %get3A_409 : vector<16xf32>
    %add3A_411 = arith.constant 9.99999997E-7 : f32
    %add3A_412 = vector.broadcast %add3A_411 : f32 to vector<16xf32>
    %add3A_413 = arith.addf %exp3A_410, %add3A_412 : vector<16xf32>
    %div3A_414 = arith.divf %sub3A_406, %add3A_413 : vector<16xf32>
    %mul3A_415 = arith.mulf %div3A_414, %div3A_414 : vector<16xf32>
    %add3A_416 = arith.addf %add3A_399, %mul3A_415 : vector<16xf32>
    %get3A_417 = arith.constant 64 : index
    %get3A_418 = tpu.vector_load %arg23[%get3A_417] {strides = array<i32>} : memref<128xf32, #tpu.memory_space<vmem>>, vector<16xf32>,
    %get3A_419 = vector.shape_cast %get3A_418 : vector<16xf32> to vector<16xf32>
    %get3A_420 = arith.constant 64 : index
    %get3A_421 = tpu.vector_load %arg17[%get3A_420] {strides = array<i32>} : memref<128xf32, #tpu.memory_space<vmem>>, vector<16xf32>,
    %get3A_422 = vector.shape_cast %get3A_421 : vector<16xf32> to vector<16xf32>
    %sub3A_423 = arith.subf %get3A_419, %get3A_422 : vector<16xf32>
    %get3A_424 = arith.constant 64 : index
    %get3A_425 = tpu.vector_load %arg20[%get3A_424] {strides = array<i32>} : memref<128xf32, #tpu.memory_space<vmem>>, vector<16xf32>,
    %get3A_426 = vector.shape_cast %get3A_425 : vector<16xf32> to vector<16xf32>
    %exp3A_427 = math.exp %get3A_426 : vector<16xf32>
    %add3A_428 = arith.constant 9.99999997E-7 : f32
    %add3A_429 = vector.broadcast %add3A_428 : f32 to vector<16xf32>
    %add3A_430 = arith.addf %exp3A_427, %add3A_429 : vector<16xf32>
    %div3A_431 = arith.divf %sub3A_423, %add3A_430 : vector<16xf32>
    %mul3A_432 = arith.mulf %div3A_431, %div3A_431 : vector<16xf32>
    %add3A_433 = arith.addf %add3A_416, %mul3A_432 : vector<16xf32>
    %bitcast_convert_type3A_434 = tpu.bitcast %add3A_433 : vector<16xf32> -> vector<16xi32>
    %shift_right_arithmetic3A_435 = arith.constant 1 : i32
    %shift_right_arithmetic3A_436 = vector.broadcast %shift_right_arithmetic3A_435 : i32 to vector<16xi32>
    %shift_right_arithmetic3A_437 = arith.shrsi %bitcast_convert_type3A_434, %shift_right_arithmetic3A_436 : vector<16xi32>
    %add3A_438 = arith.constant 532487669 : i32
    %add3A_439 = vector.broadcast %add3A_438 : i32 to vector<16xi32>
    %add3A_440 = arith.addi %shift_right_arithmetic3A_437, %add3A_439 : vector<16xi32>
    %bitcast_convert_type3A_441 = tpu.bitcast %add3A_440 : vector<16xi32> -> vector<16xf32>
    %div3A_442 = arith.divf %add3A_433, %bitcast_convert_type3A_441 : vector<16xf32>
    %add3A_443 = arith.addf %bitcast_convert_type3A_441, %div3A_442 : vector<16xf32>
    %mul3A_444 = arith.constant 5.000000e-01 : f32
    %mul3A_445 = vector.broadcast %mul3A_444 : f32 to vector<16xf32>
    %mul3A_446 = arith.mulf %mul3A_445, %add3A_443 : vector<16xf32>
    %div3A_447 = arith.divf %add3A_433, %mul3A_446 : vector<16xf32>
    %add3A_448 = arith.addf %mul3A_446, %div3A_447 : vector<16xf32>
    %mul3A_449 = arith.constant 5.000000e-01 : f32
    %mul3A_450 = vector.broadcast %mul3A_449 : f32 to vector<16xf32>
    %mul3A_451 = arith.mulf %mul3A_450, %add3A_448 : vector<16xf32>
    %div3A_452 = arith.divf %add3A_433, %mul3A_451 : vector<16xf32>
    %add3A_453 = arith.addf %mul3A_451, %div3A_452 : vector<16xf32>
    %mul3A_454 = arith.constant 5.000000e-01 : f32
    %mul3A_455 = vector.broadcast %mul3A_454 : f32 to vector<16xf32>
    %mul3A_456 = arith.mulf %mul3A_455, %add3A_453 : vector<16xf32>
    %sub3A_457 = arith.constant 1.000000e+00 : f32
    %sub3A_458 = vector.broadcast %sub3A_457 : f32 to vector<16xf32>
    %sub3A_459 = arith.subf %mul3A_456, %sub3A_458 : vector<16xf32>
    %get3A_460 = arith.constant 64 : index
    %get3A_461 = tpu.vector_load %arg24[%get3A_460] {strides = array<i32>} : memref<128xf32, #tpu.memory_space<vmem>>, vector<16xf32>,
    %get3A_462 = vector.shape_cast %get3A_461 : vector<16xf32> to vector<16xf32>
    %jit3A_463 = arith.constant 0.000000e+00 : f32
    %jit3A_464 = arith.constant 1.000000e+00 : f32
    %max3A_465 = vector.broadcast %jit3A_463 : f32 to vector<16xf32>
    %max3A_466 = arith.maximumf %max3A_465, %get3A_462 : vector<16xf32>
    %min3A_467 = vector.broadcast %jit3A_464 : f32 to vector<16xf32>
    %min3A_468 = arith.minimumf %min3A_467, %max3A_466 : vector<16xf32>
    %mul3A_469 = arith.mulf %sub3A_459, %sub3A_459 : vector<16xf32>
    %mul3A_470 = arith.mulf %mul3A_469, %min3A_468 : vector<16xf32>
    %add3A_471 = arith.addf %add3A_380, %mul3A_470 : vector<16xf32>
    %broadcast_in_dim3A_472 = arith.constant 0.000000e+00 : f32
    %broadcast_in_dim3A_473 = vector.broadcast %broadcast_in_dim3A_472 : f32 to vector<16xf32>
    %get3A_474 = arith.constant 80 : index
    %get3A_475 = tpu.vector_load %arg21[%get3A_474] {strides = array<i32>} : memref<128xf32, #tpu.memory_space<vmem>>, vector<16xf32>,
    %get3A_476 = vector.shape_cast %get3A_475 : vector<16xf32> to vector<16xf32>
    %get3A_477 = arith.constant 80 : index
    %get3A_478 = tpu.vector_load %arg15[%get3A_477] {strides = array<i32>} : memref<128xf32, #tpu.memory_space<vmem>>, vector<16xf32>,
    %get3A_479 = vector.shape_cast %get3A_478 : vector<16xf32> to vector<16xf32>
    %sub3A_480 = arith.subf %get3A_476, %get3A_479 : vector<16xf32>
    %get3A_481 = arith.constant 80 : index
    %get3A_482 = tpu.vector_load %arg18[%get3A_481] {strides = array<i32>} : memref<128xf32, #tpu.memory_space<vmem>>, vector<16xf32>,
    %get3A_483 = vector.shape_cast %get3A_482 : vector<16xf32> to vector<16xf32>
    %exp3A_484 = math.exp %get3A_483 : vector<16xf32>
    %add3A_485 = arith.constant 9.99999997E-7 : f32
    %add3A_486 = vector.broadcast %add3A_485 : f32 to vector<16xf32>
    %add3A_487 = arith.addf %exp3A_484, %add3A_486 : vector<16xf32>
    %div3A_488 = arith.divf %sub3A_480, %add3A_487 : vector<16xf32>
    %mul3A_489 = arith.mulf %div3A_488, %div3A_488 : vector<16xf32>
    %add3A_490 = arith.addf %broadcast_in_dim3A_473, %mul3A_489 : vector<16xf32>
    %get3A_491 = arith.constant 80 : index
    %get3A_492 = tpu.vector_load %arg22[%get3A_491] {strides = array<i32>} : memref<128xf32, #tpu.memory_space<vmem>>, vector<16xf32>,
    %get3A_493 = vector.shape_cast %get3A_492 : vector<16xf32> to vector<16xf32>
    %get3A_494 = arith.constant 80 : index
    %get3A_495 = tpu.vector_load %arg16[%get3A_494] {strides = array<i32>} : memref<128xf32, #tpu.memory_space<vmem>>, vector<16xf32>,
    %get3A_496 = vector.shape_cast %get3A_495 : vector<16xf32> to vector<16xf32>
    %sub3A_497 = arith.subf %get3A_493, %get3A_496 : vector<16xf32>
    %get3A_498 = arith.constant 80 : index
    %get3A_499 = tpu.vector_load %arg19[%get3A_498] {strides = array<i32>} : memref<128xf32, #tpu.memory_space<vmem>>, vector<16xf32>,
    %get3A_500 = vector.shape_cast %get3A_499 : vector<16xf32> to vector<16xf32>
    %exp3A_501 = math.exp %get3A_500 : vector<16xf32>
    %add3A_502 = arith.constant 9.99999997E-7 : f32
    %add3A_503 = vector.broadcast %add3A_502 : f32 to vector<16xf32>
    %add3A_504 = arith.addf %exp3A_501, %add3A_503 : vector<16xf32>
    %div3A_505 = arith.divf %sub3A_497, %add3A_504 : vector<16xf32>
    %mul3A_506 = arith.mulf %div3A_505, %div3A_505 : vector<16xf32>
    %add3A_507 = arith.addf %add3A_490, %mul3A_506 : vector<16xf32>
    %get3A_508 = arith.constant 80 : index
    %get3A_509 = tpu.vector_load %arg23[%get3A_508] {strides = array<i32>} : memref<128xf32, #tpu.memory_space<vmem>>, vector<16xf32>,
    %get3A_510 = vector.shape_cast %get3A_509 : vector<16xf32> to vector<16xf32>
    %get3A_511 = arith.constant 80 : index
    %get3A_512 = tpu.vector_load %arg17[%get3A_511] {strides = array<i32>} : memref<128xf32, #tpu.memory_space<vmem>>, vector<16xf32>,
    %get3A_513 = vector.shape_cast %get3A_512 : vector<16xf32> to vector<16xf32>
    %sub3A_514 = arith.subf %get3A_510, %get3A_513 : vector<16xf32>
    %get3A_515 = arith.constant 80 : index
    %get3A_516 = tpu.vector_load %arg20[%get3A_515] {strides = array<i32>} : memref<128xf32, #tpu.memory_space<vmem>>, vector<16xf32>,
    %get3A_517 = vector.shape_cast %get3A_516 : vector<16xf32> to vector<16xf32>
    %exp3A_518 = math.exp %get3A_517 : vector<16xf32>
    %add3A_519 = arith.constant 9.99999997E-7 : f32
    %add3A_520 = vector.broadcast %add3A_519 : f32 to vector<16xf32>
    %add3A_521 = arith.addf %exp3A_518, %add3A_520 : vector<16xf32>
    %div3A_522 = arith.divf %sub3A_514, %add3A_521 : vector<16xf32>
    %mul3A_523 = arith.mulf %div3A_522, %div3A_522 : vector<16xf32>
    %add3A_524 = arith.addf %add3A_507, %mul3A_523 : vector<16xf32>
    %bitcast_convert_type3A_525 = tpu.bitcast %add3A_524 : vector<16xf32> -> vector<16xi32>
    %shift_right_arithmetic3A_526 = arith.constant 1 : i32
    %shift_right_arithmetic3A_527 = vector.broadcast %shift_right_arithmetic3A_526 : i32 to vector<16xi32>
    %shift_right_arithmetic3A_528 = arith.shrsi %bitcast_convert_type3A_525, %shift_right_arithmetic3A_527 : vector<16xi32>
    %add3A_529 = arith.constant 532487669 : i32
    %add3A_530 = vector.broadcast %add3A_529 : i32 to vector<16xi32>
    %add3A_531 = arith.addi %shift_right_arithmetic3A_528, %add3A_530 : vector<16xi32>
    %bitcast_convert_type3A_532 = tpu.bitcast %add3A_531 : vector<16xi32> -> vector<16xf32>
    %div3A_533 = arith.divf %add3A_524, %bitcast_convert_type3A_532 : vector<16xf32>
    %add3A_534 = arith.addf %bitcast_convert_type3A_532, %div3A_533 : vector<16xf32>
    %mul3A_535 = arith.constant 5.000000e-01 : f32
    %mul3A_536 = vector.broadcast %mul3A_535 : f32 to vector<16xf32>
    %mul3A_537 = arith.mulf %mul3A_536, %add3A_534 : vector<16xf32>
    %div3A_538 = arith.divf %add3A_524, %mul3A_537 : vector<16xf32>
    %add3A_539 = arith.addf %mul3A_537, %div3A_538 : vector<16xf32>
    %mul3A_540 = arith.constant 5.000000e-01 : f32
    %mul3A_541 = vector.broadcast %mul3A_540 : f32 to vector<16xf32>
    %mul3A_542 = arith.mulf %mul3A_541, %add3A_539 : vector<16xf32>
    %div3A_543 = arith.divf %add3A_524, %mul3A_542 : vector<16xf32>
    %add3A_544 = arith.addf %mul3A_542, %div3A_543 : vector<16xf32>
    %mul3A_545 = arith.constant 5.000000e-01 : f32
    %mul3A_546 = vector.broadcast %mul3A_545 : f32 to vector<16xf32>
    %mul3A_547 = arith.mulf %mul3A_546, %add3A_544 : vector<16xf32>
    %sub3A_548 = arith.constant 1.000000e+00 : f32
    %sub3A_549 = vector.broadcast %sub3A_548 : f32 to vector<16xf32>
    %sub3A_550 = arith.subf %mul3A_547, %sub3A_549 : vector<16xf32>
    %get3A_551 = arith.constant 80 : index
    %get3A_552 = tpu.vector_load %arg24[%get3A_551] {strides = array<i32>} : memref<128xf32, #tpu.memory_space<vmem>>, vector<16xf32>,
    %get3A_553 = vector.shape_cast %get3A_552 : vector<16xf32> to vector<16xf32>
    %jit3A_554 = arith.constant 0.000000e+00 : f32
    %jit3A_555 = arith.constant 1.000000e+00 : f32
    %max3A_556 = vector.broadcast %jit3A_554 : f32 to vector<16xf32>
    %max3A_557 = arith.maximumf %max3A_556, %get3A_553 : vector<16xf32>
    %min3A_558 = vector.broadcast %jit3A_555 : f32 to vector<16xf32>
    %min3A_559 = arith.minimumf %min3A_558, %max3A_557 : vector<16xf32>
    %mul3A_560 = arith.mulf %sub3A_550, %sub3A_550 : vector<16xf32>
    %mul3A_561 = arith.mulf %mul3A_560, %min3A_559 : vector<16xf32>
    %add3A_562 = arith.addf %add3A_471, %mul3A_561 : vector<16xf32>
    %broadcast_in_dim3A_563 = arith.constant 0.000000e+00 : f32
    %broadcast_in_dim3A_564 = vector.broadcast %broadcast_in_dim3A_563 : f32 to vector<16xf32>
    %get3A_565 = arith.constant 96 : index
    %get3A_566 = tpu.vector_load %arg21[%get3A_565] {strides = array<i32>} : memref<128xf32, #tpu.memory_space<vmem>>, vector<16xf32>,
    %get3A_567 = vector.shape_cast %get3A_566 : vector<16xf32> to vector<16xf32>
    %get3A_568 = arith.constant 96 : index
    %get3A_569 = tpu.vector_load %arg15[%get3A_568] {strides = array<i32>} : memref<128xf32, #tpu.memory_space<vmem>>, vector<16xf32>,
    %get3A_570 = vector.shape_cast %get3A_569 : vector<16xf32> to vector<16xf32>
    %sub3A_571 = arith.subf %get3A_567, %get3A_570 : vector<16xf32>
    %get3A_572 = arith.constant 96 : index
    %get3A_573 = tpu.vector_load %arg18[%get3A_572] {strides = array<i32>} : memref<128xf32, #tpu.memory_space<vmem>>, vector<16xf32>,
    %get3A_574 = vector.shape_cast %get3A_573 : vector<16xf32> to vector<16xf32>
    %exp3A_575 = math.exp %get3A_574 : vector<16xf32>
    %add3A_576 = arith.constant 9.99999997E-7 : f32
    %add3A_577 = vector.broadcast %add3A_576 : f32 to vector<16xf32>
    %add3A_578 = arith.addf %exp3A_575, %add3A_577 : vector<16xf32>
    %div3A_579 = arith.divf %sub3A_571, %add3A_578 : vector<16xf32>
    %mul3A_580 = arith.mulf %div3A_579, %div3A_579 : vector<16xf32>
    %add3A_581 = arith.addf %broadcast_in_dim3A_564, %mul3A_580 : vector<16xf32>
    %get3A_582 = arith.constant 96 : index
    %get3A_583 = tpu.vector_load %arg22[%get3A_582] {strides = array<i32>} : memref<128xf32, #tpu.memory_space<vmem>>, vector<16xf32>,
    %get3A_584 = vector.shape_cast %get3A_583 : vector<16xf32> to vector<16xf32>
    %get3A_585 = arith.constant 96 : index
    %get3A_586 = tpu.vector_load %arg16[%get3A_585] {strides = array<i32>} : memref<128xf32, #tpu.memory_space<vmem>>, vector<16xf32>,
    %get3A_587 = vector.shape_cast %get3A_586 : vector<16xf32> to vector<16xf32>
    %sub3A_588 = arith.subf %get3A_584, %get3A_587 : vector<16xf32>
    %get3A_589 = arith.constant 96 : index
    %get3A_590 = tpu.vector_load %arg19[%get3A_589] {strides = array<i32>} : memref<128xf32, #tpu.memory_space<vmem>>, vector<16xf32>,
    %get3A_591 = vector.shape_cast %get3A_590 : vector<16xf32> to vector<16xf32>
    %exp3A_592 = math.exp %get3A_591 : vector<16xf32>
    %add3A_593 = arith.constant 9.99999997E-7 : f32
    %add3A_594 = vector.broadcast %add3A_593 : f32 to vector<16xf32>
    %add3A_595 = arith.addf %exp3A_592, %add3A_594 : vector<16xf32>
    %div3A_596 = arith.divf %sub3A_588, %add3A_595 : vector<16xf32>
    %mul3A_597 = arith.mulf %div3A_596, %div3A_596 : vector<16xf32>
    %add3A_598 = arith.addf %add3A_581, %mul3A_597 : vector<16xf32>
    %get3A_599 = arith.constant 96 : index
    %get3A_600 = tpu.vector_load %arg23[%get3A_599] {strides = array<i32>} : memref<128xf32, #tpu.memory_space<vmem>>, vector<16xf32>,
    %get3A_601 = vector.shape_cast %get3A_600 : vector<16xf32> to vector<16xf32>
    %get3A_602 = arith.constant 96 : index
    %get3A_603 = tpu.vector_load %arg17[%get3A_602] {strides = array<i32>} : memref<128xf32, #tpu.memory_space<vmem>>, vector<16xf32>,
    %get3A_604 = vector.shape_cast %get3A_603 : vector<16xf32> to vector<16xf32>
    %sub3A_605 = arith.subf %get3A_601, %get3A_604 : vector<16xf32>
    %get3A_606 = arith.constant 96 : index
    %get3A_607 = tpu.vector_load %arg20[%get3A_606] {strides = array<i32>} : memref<128xf32, #tpu.memory_space<vmem>>, vector<16xf32>,
    %get3A_608 = vector.shape_cast %get3A_607 : vector<16xf32> to vector<16xf32>
    %exp3A_609 = math.exp %get3A_608 : vector<16xf32>
    %add3A_610 = arith.constant 9.99999997E-7 : f32
    %add3A_611 = vector.broadcast %add3A_610 : f32 to vector<16xf32>
    %add3A_612 = arith.addf %exp3A_609, %add3A_611 : vector<16xf32>
    %div3A_613 = arith.divf %sub3A_605, %add3A_612 : vector<16xf32>
    %mul3A_614 = arith.mulf %div3A_613, %div3A_613 : vector<16xf32>
    %add3A_615 = arith.addf %add3A_598, %mul3A_614 : vector<16xf32>
    %bitcast_convert_type3A_616 = tpu.bitcast %add3A_615 : vector<16xf32> -> vector<16xi32>
    %shift_right_arithmetic3A_617 = arith.constant 1 : i32
    %shift_right_arithmetic3A_618 = vector.broadcast %shift_right_arithmetic3A_617 : i32 to vector<16xi32>
    %shift_right_arithmetic3A_619 = arith.shrsi %bitcast_convert_type3A_616, %shift_right_arithmetic3A_618 : vector<16xi32>
    %add3A_620 = arith.constant 532487669 : i32
    %add3A_621 = vector.broadcast %add3A_620 : i32 to vector<16xi32>
    %add3A_622 = arith.addi %shift_right_arithmetic3A_619, %add3A_621 : vector<16xi32>
    %bitcast_convert_type3A_623 = tpu.bitcast %add3A_622 : vector<16xi32> -> vector<16xf32>
    %div3A_624 = arith.divf %add3A_615, %bitcast_convert_type3A_623 : vector<16xf32>
    %add3A_625 = arith.addf %bitcast_convert_type3A_623, %div3A_624 : vector<16xf32>
    %mul3A_626 = arith.constant 5.000000e-01 : f32
    %mul3A_627 = vector.broadcast %mul3A_626 : f32 to vector<16xf32>
    %mul3A_628 = arith.mulf %mul3A_627, %add3A_625 : vector<16xf32>
    %div3A_629 = arith.divf %add3A_615, %mul3A_628 : vector<16xf32>
    %add3A_630 = arith.addf %mul3A_628, %div3A_629 : vector<16xf32>
    %mul3A_631 = arith.constant 5.000000e-01 : f32
    %mul3A_632 = vector.broadcast %mul3A_631 : f32 to vector<16xf32>
    %mul3A_633 = arith.mulf %mul3A_632, %add3A_630 : vector<16xf32>
    %div3A_634 = arith.divf %add3A_615, %mul3A_633 : vector<16xf32>
    %add3A_635 = arith.addf %mul3A_633, %div3A_634 : vector<16xf32>
    %mul3A_636 = arith.constant 5.000000e-01 : f32
    %mul3A_637 = vector.broadcast %mul3A_636 : f32 to vector<16xf32>
    %mul3A_638 = arith.mulf %mul3A_637, %add3A_635 : vector<16xf32>
    %sub3A_639 = arith.constant 1.000000e+00 : f32
    %sub3A_640 = vector.broadcast %sub3A_639 : f32 to vector<16xf32>
    %sub3A_641 = arith.subf %mul3A_638, %sub3A_640 : vector<16xf32>
    %get3A_642 = arith.constant 96 : index
    %get3A_643 = tpu.vector_load %arg24[%get3A_642] {strides = array<i32>} : memref<128xf32, #tpu.memory_space<vmem>>, vector<16xf32>,
    %get3A_644 = vector.shape_cast %get3A_643 : vector<16xf32> to vector<16xf32>
    %jit3A_645 = arith.constant 0.000000e+00 : f32
    %jit3A_646 = arith.constant 1.000000e+00 : f32
    %max3A_647 = vector.broadcast %jit3A_645 : f32 to vector<16xf32>
    %max3A_648 = arith.maximumf %max3A_647, %get3A_644 : vector<16xf32>
    %min3A_649 = vector.broadcast %jit3A_646 : f32 to vector<16xf32>
    %min3A_650 = arith.minimumf %min3A_649, %max3A_648 : vector<16xf32>
    %mul3A_651 = arith.mulf %sub3A_641, %sub3A_641 : vector<16xf32>
    %mul3A_652 = arith.mulf %mul3A_651, %min3A_650 : vector<16xf32>
    %add3A_653 = arith.addf %add3A_562, %mul3A_652 : vector<16xf32>
    %broadcast_in_dim3A_654 = arith.constant 0.000000e+00 : f32
    %broadcast_in_dim3A_655 = vector.broadcast %broadcast_in_dim3A_654 : f32 to vector<16xf32>
    %get3A_656 = arith.constant 112 : index
    %get3A_657 = tpu.vector_load %arg21[%get3A_656] {strides = array<i32>} : memref<128xf32, #tpu.memory_space<vmem>>, vector<16xf32>,
    %get3A_658 = vector.shape_cast %get3A_657 : vector<16xf32> to vector<16xf32>
    %get3A_659 = arith.constant 112 : index
    %get3A_660 = tpu.vector_load %arg15[%get3A_659] {strides = array<i32>} : memref<128xf32, #tpu.memory_space<vmem>>, vector<16xf32>,
    %get3A_661 = vector.shape_cast %get3A_660 : vector<16xf32> to vector<16xf32>
    %sub3A_662 = arith.subf %get3A_658, %get3A_661 : vector<16xf32>
    %get3A_663 = arith.constant 112 : index
    %get3A_664 = tpu.vector_load %arg18[%get3A_663] {strides = array<i32>} : memref<128xf32, #tpu.memory_space<vmem>>, vector<16xf32>,
    %get3A_665 = vector.shape_cast %get3A_664 : vector<16xf32> to vector<16xf32>
    %exp3A_666 = math.exp %get3A_665 : vector<16xf32>
    %add3A_667 = arith.constant 9.99999997E-7 : f32
    %add3A_668 = vector.broadcast %add3A_667 : f32 to vector<16xf32>
    %add3A_669 = arith.addf %exp3A_666, %add3A_668 : vector<16xf32>
    %div3A_670 = arith.divf %sub3A_662, %add3A_669 : vector<16xf32>
    %mul3A_671 = arith.mulf %div3A_670, %div3A_670 : vector<16xf32>
    %add3A_672 = arith.addf %broadcast_in_dim3A_655, %mul3A_671 : vector<16xf32>
    %get3A_673 = arith.constant 112 : index
    %get3A_674 = tpu.vector_load %arg22[%get3A_673] {strides = array<i32>} : memref<128xf32, #tpu.memory_space<vmem>>, vector<16xf32>,
    %get3A_675 = vector.shape_cast %get3A_674 : vector<16xf32> to vector<16xf32>
    %get3A_676 = arith.constant 112 : index
    %get3A_677 = tpu.vector_load %arg16[%get3A_676] {strides = array<i32>} : memref<128xf32, #tpu.memory_space<vmem>>, vector<16xf32>,
    %get3A_678 = vector.shape_cast %get3A_677 : vector<16xf32> to vector<16xf32>
    %sub3A_679 = arith.subf %get3A_675, %get3A_678 : vector<16xf32>
    %get3A_680 = arith.constant 112 : index
    %get3A_681 = tpu.vector_load %arg19[%get3A_680] {strides = array<i32>} : memref<128xf32, #tpu.memory_space<vmem>>, vector<16xf32>,
    %get3A_682 = vector.shape_cast %get3A_681 : vector<16xf32> to vector<16xf32>
    %exp3A_683 = math.exp %get3A_682 : vector<16xf32>
    %add3A_684 = arith.constant 9.99999997E-7 : f32
    %add3A_685 = vector.broadcast %add3A_684 : f32 to vector<16xf32>
    %add3A_686 = arith.addf %exp3A_683, %add3A_685 : vector<16xf32>
    %div3A_687 = arith.divf %sub3A_679, %add3A_686 : vector<16xf32>
    %mul3A_688 = arith.mulf %div3A_687, %div3A_687 : vector<16xf32>
    %add3A_689 = arith.addf %add3A_672, %mul3A_688 : vector<16xf32>
    %get3A_690 = arith.constant 112 : index
    %get3A_691 = tpu.vector_load %arg23[%get3A_690] {strides = array<i32>} : memref<128xf32, #tpu.memory_space<vmem>>, vector<16xf32>,
    %get3A_692 = vector.shape_cast %get3A_691 : vector<16xf32> to vector<16xf32>
    %get3A_693 = arith.constant 112 : index
    %get3A_694 = tpu.vector_load %arg17[%get3A_693] {strides = array<i32>} : memref<128xf32, #tpu.memory_space<vmem>>, vector<16xf32>,
    %get3A_695 = vector.shape_cast %get3A_694 : vector<16xf32> to vector<16xf32>
    %sub3A_696 = arith.subf %get3A_692, %get3A_695 : vector<16xf32>
    %get3A_697 = arith.constant 112 : index
    %get3A_698 = tpu.vector_load %arg20[%get3A_697] {strides = array<i32>} : memref<128xf32, #tpu.memory_space<vmem>>, vector<16xf32>,
    %get3A_699 = vector.shape_cast %get3A_698 : vector<16xf32> to vector<16xf32>
    %exp3A_700 = math.exp %get3A_699 : vector<16xf32>
    %add3A_701 = arith.constant 9.99999997E-7 : f32
    %add3A_702 = vector.broadcast %add3A_701 : f32 to vector<16xf32>
    %add3A_703 = arith.addf %exp3A_700, %add3A_702 : vector<16xf32>
    %div3A_704 = arith.divf %sub3A_696, %add3A_703 : vector<16xf32>
    %mul3A_705 = arith.mulf %div3A_704, %div3A_704 : vector<16xf32>
    %add3A_706 = arith.addf %add3A_689, %mul3A_705 : vector<16xf32>
    %bitcast_convert_type3A_707 = tpu.bitcast %add3A_706 : vector<16xf32> -> vector<16xi32>
    %shift_right_arithmetic3A_708 = arith.constant 1 : i32
    %shift_right_arithmetic3A_709 = vector.broadcast %shift_right_arithmetic3A_708 : i32 to vector<16xi32>
    %shift_right_arithmetic3A_710 = arith.shrsi %bitcast_convert_type3A_707, %shift_right_arithmetic3A_709 : vector<16xi32>
    %add3A_711 = arith.constant 532487669 : i32
    %add3A_712 = vector.broadcast %add3A_711 : i32 to vector<16xi32>
    %add3A_713 = arith.addi %shift_right_arithmetic3A_710, %add3A_712 : vector<16xi32>
    %bitcast_convert_type3A_714 = tpu.bitcast %add3A_713 : vector<16xi32> -> vector<16xf32>
    %div3A_715 = arith.divf %add3A_706, %bitcast_convert_type3A_714 : vector<16xf32>
    %add3A_716 = arith.addf %bitcast_convert_type3A_714, %div3A_715 : vector<16xf32>
    %mul3A_717 = arith.constant 5.000000e-01 : f32
    %mul3A_718 = vector.broadcast %mul3A_717 : f32 to vector<16xf32>
    %mul3A_719 = arith.mulf %mul3A_718, %add3A_716 : vector<16xf32>
    %div3A_720 = arith.divf %add3A_706, %mul3A_719 : vector<16xf32>
    %add3A_721 = arith.addf %mul3A_719, %div3A_720 : vector<16xf32>
    %mul3A_722 = arith.constant 5.000000e-01 : f32
    %mul3A_723 = vector.broadcast %mul3A_722 : f32 to vector<16xf32>
    %mul3A_724 = arith.mulf %mul3A_723, %add3A_721 : vector<16xf32>
    %div3A_725 = arith.divf %add3A_706, %mul3A_724 : vector<16xf32>
    %add3A_726 = arith.addf %mul3A_724, %div3A_725 : vector<16xf32>
    %mul3A_727 = arith.constant 5.000000e-01 : f32
    %mul3A_728 = vector.broadcast %mul3A_727 : f32 to vector<16xf32>
    %mul3A_729 = arith.mulf %mul3A_728, %add3A_726 : vector<16xf32>
    %sub3A_730 = arith.constant 1.000000e+00 : f32
    %sub3A_731 = vector.broadcast %sub3A_730 : f32 to vector<16xf32>
    %sub3A_732 = arith.subf %mul3A_729, %sub3A_731 : vector<16xf32>
    %get3A_733 = arith.constant 112 : index
    %get3A_734 = tpu.vector_load %arg24[%get3A_733] {strides = array<i32>} : memref<128xf32, #tpu.memory_space<vmem>>, vector<16xf32>,
    %get3A_735 = vector.shape_cast %get3A_734 : vector<16xf32> to vector<16xf32>
    %jit3A_736 = arith.constant 0.000000e+00 : f32
    %jit3A_737 = arith.constant 1.000000e+00 : f32
    %max3A_738 = vector.broadcast %jit3A_736 : f32 to vector<16xf32>
    %max3A_739 = arith.maximumf %max3A_738, %get3A_735 : vector<16xf32>
    %min3A_740 = vector.broadcast %jit3A_737 : f32 to vector<16xf32>
    %min3A_741 = arith.minimumf %min3A_740, %max3A_739 : vector<16xf32>
    %mul3A_742 = arith.mulf %sub3A_732, %sub3A_732 : vector<16xf32>
    %mul3A_743 = arith.mulf %mul3A_742, %min3A_741 : vector<16xf32>
    %add3A_744 = arith.addf %add3A_653, %mul3A_743 : vector<16xf32>
    %swap3A = arith.constant 0 : index
    %swap3A_745 = tpu.vector_load %arg25[%swap3A] {strides = array<i32>} : memref<16xf32, #tpu.memory_space<vmem>>, vector<16xf32>,
    %swap3A_746 = vector.shape_cast %swap3A_745 : vector<16xf32> to vector<16xf32>
    %swap3A_747 = vector.shape_cast %add3A_744 : vector<16xf32> to vector<16xf32>
    tpu.vector_store %arg25[%swap3A], %swap3A_747 {strides = array<i32>} : memref<16xf32, #tpu.memory_space<vmem>>, vector<16xf32>,
    "tpu.region"() ({
      %run_scoped3A = tpu.sem_alloc : memref<!tpu.dma_semaphore, #tpu.memory_space<semaphore_mem>>
      %dma_start3A_748 = arith.constant 0 : i32
      %dma_start3A_749 = tpu.memref_slice %arg13[%add3A, %dma_start3A_748] : memref<32x16xf32, #tpu.memory_space<hbm>> -> memref<1x16xf32, #tpu.memory_space<hbm>>
      %dma_start3A_750 = tpu.memref_squeeze %dma_start3A_749 : memref<1x16xf32, #tpu.memory_space<hbm>> -> memref<16xf32, #tpu.memory_space<hbm>>
      %dma_start3A_751 = arith.constant 0 : i32
      %dma_start3A_752 = tpu.memref_slice %arg13[%add3A, %dma_start3A_751] : memref<32x16xf32, #tpu.memory_space<hbm>> -> memref<1x16xf32, #tpu.memory_space<hbm>>
      %dma_start3A_753 = tpu.memref_squeeze %dma_start3A_752 : memref<1x16xf32, #tpu.memory_space<hbm>> -> memref<16xf32, #tpu.memory_space<hbm>>
      tpu.enqueue_dma source(%arg25 : memref<16xf32, #tpu.memory_space<vmem>>) target(%dma_start3A_753 : memref<16xf32, #tpu.memory_space<hbm>>) target_semaphore(%run_scoped3A : memref<!tpu.dma_semaphore, #tpu.memory_space<semaphore_mem>>)
      %dma_wait3A_754 = arith.constant 0 : i32
      %dma_wait3A_755 = tpu.memref_slice %arg13[%add3A, %dma_wait3A_754] : memref<32x16xf32, #tpu.memory_space<hbm>> -> memref<1x16xf32, #tpu.memory_space<hbm>>
      %dma_wait3A_756 = tpu.memref_squeeze %dma_wait3A_755 : memref<1x16xf32, #tpu.memory_space<hbm>> -> memref<16xf32, #tpu.memory_space<hbm>>
      %dma_wait3A_757 = arith.constant 0 : i32
      %dma_wait3A_758 = tpu.memref_slice %arg13[%add3A, %dma_wait3A_757] : memref<32x16xf32, #tpu.memory_space<hbm>> -> memref<1x16xf32, #tpu.memory_space<hbm>>
      %dma_wait3A_759 = tpu.memref_squeeze %dma_wait3A_758 : memref<1x16xf32, #tpu.memory_space<hbm>> -> memref<16xf32, #tpu.memory_space<hbm>>
      tpu.wait_dma2 semaphore(%run_scoped3A : memref<!tpu.dma_semaphore, #tpu.memory_space<semaphore_mem>>) src(%arg25 : memref<16xf32, #tpu.memory_space<vmem>>) dst(%dma_wait3A_759 : memref<16xf32, #tpu.memory_space<hbm>>)
      tpu.yield
    }) : () -> ()
    return
  }
}

module attributes {stable_mosaic.version = 14 : i64} {
  func.func @_argmin_body(%arg0: i32, %arg1: memref<1024x3xf32, #tpu.memory_space<vmem>>, %arg2: memref<4x4096xf32, #tpu.memory_space<vmem>>, %arg3: memref<1x4096xi32, #tpu.memory_space<vmem>>, %arg4: memref<1x4096xf32, #tpu.memory_space<vmem>>, %arg5: memref<1x4096xf32, #tpu.memory_space<vmem>>) attributes {dimension_semantics = [#tpu.dimension_semantics<arbitrary>], iteration_bounds = array<i64: 16>, scalar_prefetch = 0 : i64, scratch_operands = 2 : i64, tpu.core_type = #tpu.core_type<tc>, window_params = [{transform_indices = @transform_0, window_bounds = array<i64: 1024, 3>}, {pipeline_mode = #tpu.pipeline_mode<synchronous>, transform_indices = @transform_1, window_bounds = array<i64: 4, 4096>}, {pipeline_mode = #tpu.pipeline_mode<synchronous>, transform_indices = @transform_2, window_bounds = array<i64: 1, 4096>}]} {
    %get3A = arith.constant 0 : index
    %get3A_0 = arith.constant 0 : index
    %get3A_1 = vector.load %arg1[%get3A, %get3A_0] : memref<1024x3xf32, #tpu.memory_space<vmem>>, vector<1024x3xf32>
    %mul3A = arith.mulf %get3A_1, %get3A_1 : vector<1024x3xf32>
    %reduce_sum3A = arith.constant dense<0.000000e+00> : vector<1024xf32>
    %reduce_sum3A_2 = vector.multi_reduction <add>, %mul3A, %reduce_sum3A [1] : vector<1024x3xf32> to vector<1024xf32>
    %broadcast_in_dim3A = vector.shape_cast %reduce_sum3A_2 : vector<1024xf32> to vector<1024x1xf32>
    %add3A = arith.addf %get3A_1, %get3A_1 : vector<1024x3xf32>
    %get3A_3 = arith.constant 0 : index
    %get3A_4 = arith.constant 0 : index
    %get3A_5 = vector.load %arg2[%get3A_3, %get3A_4] : memref<4x4096xf32, #tpu.memory_space<vmem>>, vector<3x4096xf32>
    %dot_general3A = arith.constant dense<0.000000e+00> : vector<1024x4096xf32>
    %dot_general3A_6 = tpu.matmul %add3A, %get3A_5, %dot_general3A {dimension_numbers = #tpu.dot_dimension_numbers<[1], [0], [0], [1], [0, 0, 1, 1], [], []>, transpose_lhs_hint = false} : vector<1024x3xf32>, vector<3x4096xf32>, vector<1024x4096xf32> -> vector<1024x4096xf32>
    %get3A_7 = arith.constant 3 : index
    %get3A_8 = arith.constant 0 : index
    %get3A_9 = vector.load %arg2[%get3A_7, %get3A_8] : memref<4x4096xf32, #tpu.memory_space<vmem>>, vector<1x4096xf32>
    %add3A_10 = vector.broadcast %get3A_9 : vector<1x4096xf32> to vector<1024x4096xf32>
    %add3A_11 = vector.broadcast %broadcast_in_dim3A : vector<1024x1xf32> to vector<1024x4096xf32>
    %add3A_12 = arith.addf %add3A_10, %add3A_11 : vector<1024x4096xf32>
    %sub3A = arith.subf %add3A_12, %dot_general3A_6 : vector<1024x4096xf32>
    %reduce_min3A = arith.constant dense<0x7F800000> : vector<4096xf32>
    %reduce_min3A_13 = vector.multi_reduction <minimumf>, %sub3A, %reduce_min3A [0] : vector<1024x4096xf32> to vector<4096xf32>
    %broadcast_in_dim3A_14 = vector.shape_cast %reduce_min3A_13 : vector<4096xf32> to vector<1x4096xf32>
    %iota3A = tpu.iota {dimensions = array<i32: 0>} : vector<1024x4096xi32>
    %convert_element_type3A = arith.sitofp %iota3A : vector<1024x4096xi32> to vector<1024x4096xf32>
    %eq3A = vector.broadcast %broadcast_in_dim3A_14 : vector<1x4096xf32> to vector<1024x4096xf32>
    %eq3A_15 = arith.cmpf oeq, %sub3A, %eq3A : vector<1024x4096xf32>
    %jit3A = arith.constant 0x7F800000 : f32
    %broadcast_in_dim3A_16 = vector.broadcast %jit3A : f32 to vector<1024x4096xf32>
    %select_n3A = arith.select %eq3A_15, %convert_element_type3A, %broadcast_in_dim3A_16 : vector<1024x4096xi1>, vector<1024x4096xf32>
    %reduce_min3A_17 = arith.constant dense<0x7F800000> : vector<4096xf32>
    %reduce_min3A_18 = vector.multi_reduction <minimumf>, %select_n3A, %reduce_min3A_17 [0] : vector<1024x4096xf32> to vector<4096xf32>
    %broadcast_in_dim3A_19 = vector.shape_cast %reduce_min3A_18 : vector<4096xf32> to vector<1x4096xf32>
    %mul3A_20 = arith.constant 1024 : i32
    %mul3A_21 = arith.muli %arg0, %mul3A_20 : i32
    %convert_element_type3A_22 = arith.sitofp %mul3A_21 : i32 to f32
    %add3A_23 = vector.broadcast %convert_element_type3A_22 : f32 to vector<1x4096xf32>
    %add3A_24 = arith.addf %broadcast_in_dim3A_19, %add3A_23 : vector<1x4096xf32>
    %eq3A_25 = arith.constant 0 : i32
    %eq3A_26 = arith.cmpi eq, %arg0, %eq3A_25 : i32
    %convert_element_type3A_27 = arith.extui %eq3A_26 : i1 to i32
    %cond3A = arith.constant 0 : i32
    %cond3A_28 = arith.cmpi ne, %convert_element_type3A_27, %cond3A : i32
    scf.if %cond3A_28 {
      %swap3A = arith.constant 0 : index
      %swap3A_38 = arith.constant 0 : index
      %swap3A_39 = vector.load %arg4[%swap3A, %swap3A_38] : memref<1x4096xf32, #tpu.memory_space<vmem>>, vector<1x4096xf32>
      tpu.vector_store %arg4[%swap3A, %swap3A_38], %broadcast_in_dim3A_14 {strides = array<i32>} : memref<1x4096xf32, #tpu.memory_space<vmem>>, vector<1x4096xf32>,
      %swap3A_40 = arith.constant 0 : index
      %swap3A_41 = arith.constant 0 : index
      %swap3A_42 = vector.load %arg5[%swap3A_40, %swap3A_41] : memref<1x4096xf32, #tpu.memory_space<vmem>>, vector<1x4096xf32>
      tpu.vector_store %arg5[%swap3A_40, %swap3A_41], %add3A_24 {strides = array<i32>} : memref<1x4096xf32, #tpu.memory_space<vmem>>, vector<1x4096xf32>,
    } else {
    }
    %gt3A = arith.constant 0 : i32
    %gt3A_29 = arith.cmpi sgt, %arg0, %gt3A : i32
    %convert_element_type3A_30 = arith.extui %gt3A_29 : i1 to i32
    %cond3A_31 = arith.constant 0 : i32
    %cond3A_32 = arith.cmpi ne, %convert_element_type3A_30, %cond3A_31 : i32
    scf.if %cond3A_32 {
      %get3A_38 = arith.constant 0 : index
      %get3A_39 = arith.constant 0 : index
      %get3A_40 = vector.load %arg4[%get3A_38, %get3A_39] : memref<1x4096xf32, #tpu.memory_space<vmem>>, vector<1x4096xf32>
      %lt3A = arith.cmpf olt, %broadcast_in_dim3A_14, %get3A_40 : vector<1x4096xf32>
      %get3A_41 = arith.constant 0 : index
      %get3A_42 = arith.constant 0 : index
      %get3A_43 = vector.load %arg4[%get3A_41, %get3A_42] : memref<1x4096xf32, #tpu.memory_space<vmem>>, vector<1x4096xf32>
      %select_n3A_44 = arith.select %lt3A, %broadcast_in_dim3A_14, %get3A_43 : vector<1x4096xi1>, vector<1x4096xf32>
      %swap3A = arith.constant 0 : index
      %swap3A_45 = arith.constant 0 : index
      %swap3A_46 = vector.load %arg4[%swap3A, %swap3A_45] : memref<1x4096xf32, #tpu.memory_space<vmem>>, vector<1x4096xf32>
      tpu.vector_store %arg4[%swap3A, %swap3A_45], %select_n3A_44 {strides = array<i32>} : memref<1x4096xf32, #tpu.memory_space<vmem>>, vector<1x4096xf32>,
      %get3A_47 = arith.constant 0 : index
      %get3A_48 = arith.constant 0 : index
      %get3A_49 = vector.load %arg5[%get3A_47, %get3A_48] : memref<1x4096xf32, #tpu.memory_space<vmem>>, vector<1x4096xf32>
      %select_n3A_50 = arith.select %lt3A, %add3A_24, %get3A_49 : vector<1x4096xi1>, vector<1x4096xf32>
      %swap3A_51 = arith.constant 0 : index
      %swap3A_52 = arith.constant 0 : index
      %swap3A_53 = vector.load %arg5[%swap3A_51, %swap3A_52] : memref<1x4096xf32, #tpu.memory_space<vmem>>, vector<1x4096xf32>
      tpu.vector_store %arg5[%swap3A_51, %swap3A_52], %select_n3A_50 {strides = array<i32>} : memref<1x4096xf32, #tpu.memory_space<vmem>>, vector<1x4096xf32>,
    } else {
    }
    %eq3A_33 = arith.constant 15 : i32
    %eq3A_34 = arith.cmpi eq, %arg0, %eq3A_33 : i32
    %convert_element_type3A_35 = arith.extui %eq3A_34 : i1 to i32
    %cond3A_36 = arith.constant 0 : i32
    %cond3A_37 = arith.cmpi ne, %convert_element_type3A_35, %cond3A_36 : i32
    scf.if %cond3A_37 {
      %get3A_38 = arith.constant 0 : index
      %get3A_39 = arith.constant 0 : index
      %get3A_40 = vector.load %arg5[%get3A_38, %get3A_39] : memref<1x4096xf32, #tpu.memory_space<vmem>>, vector<1x4096xf32>
      %convert_element_type3A_41 = arith.fptosi %get3A_40 : vector<1x4096xf32> to vector<1x4096xi32>
      %swap3A = arith.constant 0 : index
      %swap3A_42 = arith.constant 0 : index
      %swap3A_43 = vector.load %arg3[%swap3A, %swap3A_42] : memref<1x4096xi32, #tpu.memory_space<vmem>>, vector<1x4096xi32>
      tpu.vector_store %arg3[%swap3A, %swap3A_42], %convert_element_type3A_41 {strides = array<i32>} : memref<1x4096xi32, #tpu.memory_space<vmem>>, vector<1x4096xi32>,
    } else {
    }
    return
  }
  func.func @transform_0(%arg0: i32) -> (i32, i32) {
    %c0_i32 = arith.constant 0 : i32
    %c0_i32_0 = arith.constant 0 : i32
    return %arg0, %c0_i32 : i32, i32
  }
  func.func @transform_1(%arg0: i32) -> (i32, i32) {
    %c0_i32 = arith.constant 0 : i32
    %c0_i32_0 = arith.constant 0 : i32
    %c0_i32_1 = arith.constant 0 : i32
    return %c0_i32, %c0_i32_0 : i32, i32
  }
  func.func @transform_2(%arg0: i32) -> (i32, i32) {
    %c0_i32 = arith.constant 0 : i32
    %c0_i32_0 = arith.constant 0 : i32
    %c0_i32_1 = arith.constant 0 : i32
    return %c0_i32, %c0_i32_0 : i32, i32
  }
}

</mosaic_0001>

<sc_bundles>
// kernel: kernel.4.cloned.1.call-start
scs
__scs_entry_jumppad:
0x0: {  	(pc) =	sbr.rel $0x88, $3  }
0x1: {  	(tag) =	ssettag $0x0;
	lr =	simm.s32 $0x1  }
0x2: {  	[smem:$0x3F9D] =	sst lr;
	_ =	strace $0xD0000000  }
0x3: {  	_ = 	snop  }
0x4: {  	_ = 	snop  }
0x5: {  	_ = 	snop  }
0x6: {  	_ = 	snop  }
0x7: {  	_ = 	snop  }
__scs_overlays_trampoline_lowered:
0x8: {  	[smem:$0x3FAC] =	sst s0  }
0x9: {  	[smem:$0x3FAD] =	sst s1  }
0xa: {  	[smem:$0x3FAE] =	sst s2  }
0xb: {  	[smem:$0x3FAF] =	sst s3  }
0xc: {  	[smem:$0x3FB0] =	sst s4  }
0xd: {  	[smem:$0x3FB1] =	sst s5  }
0xe: {  	[smem:$0x3FB2] =	sst s6  }
0xf: {  	[smem:$0x3FB3] =	sst s7  }
0x10: {  	[smem:$0x3FB4] =	sst s8  }
0x11: {  	[smem:$0x3FB5] =	sst s9;
	s0 =	simm.s32 @!p0 $0x0  }
0x12: {  	s1 =	sld [smem:$0x3F9B];
	s0 =	simm.s32 @p0 $0x1  }
0x13: {  	[smem:$0x3FB6] =	sst s0;
	s0 =	simm.s32 @!p1 $0x0  }
0x14: {  	s2 =	sld [smem:$0x3F9A];
	s0 =	simm.s32 @p1 $0x1  }
0x15: {  	[smem:$0x3FB7] =	sst s0;
	s0 =	simm.s32 @!p2 $0x0  }
0x16: {  	s3 =	sld [smem:$0x3FDB];
	s0 =	simm.s32 @p2 $0x1  }
0x17: {  	s4 =	simm.s32 $0x1BF5;
	[smem:$0x3FB9] =	sst s0  }
0x18: {  	s0 =	sld [smem:$0x3F9C];
	_ =	swait.ge [sflag:s4], $0x0  }
0x19: {  	s7 =	sld [smem:$0x3F9D]  }
0x1a: {  	s8 =	sadd.s32 $0xFFFFE003, lr  }
0x1b: {  	s9 =	sadd.s32 $0xFFFFFEF7, lr;
	s5 =	simm.s32 $0xFFFFFFFF;
	p2 =	slt.u32 s8, $0xFFFFF086  }
0x1c: {  	p1 =	slt.u32 s9, $0xF7A;
	s5 =	simm.s32 @!p2 $0x0  }
0x1d: {  	s5 =	simm.s32 @p1 $0x1;
	p0 =	seq.s32 s7, s2  }
0x1e: {  	s7 =	smul.u32 @!p0 $0xF7A, s2;
	p2 =	seq.s32 @!p0 s5, $0x0  }
0x1f: {  	s9 =	smul.u32 $0xF7A, s1;
	s8 =	simm.s32 @!p0 $0x1BF5;
	p2 =	por !p2, p0  }
0x20: {  	[sflag:s8] =	ssyncset.s32 @!p0 $0xFFFFF086;
	s6 =	sadd.s32 @!p0 s3, s7;
	s7 =	simm.s32 @!p0 $0x108  }
0x21: {  	s3 =	sadd.s32 s3, s9;
	s6 =	sadd.s32 @!p0 $0x88, s6;
	s7 =	simm.s32 @p2 $0x1082  }
0x22: {  	[simem:s7], [sflag:s8] =	dma.local @!p0 [hbm:s6], $0xF7A  }
0x23: {  	s9 =	sor.u32 $0xD0000000, s2;
	s6 =	simm.s32 $0x108;
	_ =	swait.ge @!p0 [sflag:s8], $0x0  }
0x24: {  	s3 =	sadd.s32 $0x88, s3;
	s6 =	simm.s32 @!p1 $0x1082;
	[sflag:s4] =	ssyncset.s32 $0xFFFFF086  }
0x25: {  	[simem:s6], [sflag:s4] =	dma.local [hbm:s3], $0xF7A  }
0x26: {  	[smem:$0x3F9D] =	sst s1;
	(tag) =	ssettag s2;
	_ =	strace s9  }
0x27: {  	s1 =	sld [smem:$0x3FAD]  }
0x28: {  	s2 =	sld [smem:$0x3FAE]  }
0x29: {  	s4 =	sld [smem:$0x3FB0]  }
0x2a: {  	p0 =	seq.s32 s5, $0x0;
	s5 =	sld [smem:$0x3FB1]  }
0x2b: {  	s6 =	sld [smem:$0x3FB2]  }
0x2c: {  	s7 =	sld [smem:$0x3FB3]  }
0x2d: {  	s3 =	simm.s32 $0x108;
	s8 =	sld [smem:$0x3FB4]  }
0x2e: {  	s3 =	simm.s32 @!p0 $0x1082;
	s9 =	sld [smem:$0x3FB5]  }
0x2f: {  	lr =	sadd.s32 s0, s3;
	s0 =	sld [smem:$0x3FAC]  }
0x30: {  	s3 =	sld [smem:$0x3FAF]  }
0x31: {  	[smem:$0x3FB8] =	sst s10  }
0x32: {  	s10 =	sld [smem:$0x3FB6];
	_ =	sdelay $0x3  }
0x33: {  	p0 =	seq.s32 s10, $0x1;
	s10 =	sld [smem:$0x3FB8];
	_ =	sdelay $0x3  }
0x34: {  	[smem:$0x3FB8] =	sst s10  }
0x35: {  	s10 =	sld [smem:$0x3FB7];
	_ =	sdelay $0x3  }
0x36: {  	p1 =	seq.s32 s10, $0x1;
	s10 =	sld [smem:$0x3FB8];
	_ =	sdelay $0x3  }
0x37: {  	[smem:$0x3FB8] =	sst s10  }
0x38: {  	s10 =	sld [smem:$0x3FB9]  }
0x39: {  	_ = 	snop;
	(pc) =	sbr.ind lr, $3  }
0x3a: {  	_ = 	snop  }
0x3b: {  	_ = 	snop  }
0x3c: {  	p2 =	seq.s32 s10, $0x1;
	s10 =	sld [smem:$0x3FB8]  }
0x3d: {  	_ =	shalt  }
0x3e: {  	_ =	shalt  }
0x3f: {  	_ =	shalt  }
0x40: {  	_ =	shalt  }
0x41: {  	_ =	shalt  }
0x42: {  	_ =	shalt  }
0x43: {  	_ =	shalt  }
0x44: {  	_ =	shalt  }
0x45: {  	_ =	shalt  }
0x46: {  	_ =	shalt  }
0x47: {  	_ =	shalt  }
0x48: {  	_ =	shalt  }
0x49: {  	_ =	shalt  }
0x4a: {  	_ =	shalt  }
0x4b: {  	_ =	shalt  }
0x4c: {  	_ =	shalt  }
0x4d: {  	_ =	shalt  }
0x4e: {  	_ =	shalt  }
0x4f: {  	_ =	shalt  }
0x50: {  	_ =	shalt  }
0x51: {  	_ =	shalt  }
0x52: {  	_ =	shalt  }
0x53: {  	_ =	shalt  }
0x54: {  	_ =	shalt  }
0x55: {  	_ =	shalt  }
0x56: {  	_ =	shalt  }
0x57: {  	_ =	shalt  }
0x58: {  	_ =	shalt  }
0x59: {  	_ =	shalt  }
0x5a: {  	_ =	shalt  }
0x5b: {  	_ =	shalt  }
0x5c: {  	_ =	shalt  }
0x5d: {  	_ =	shalt  }
0x5e: {  	_ =	shalt  }
0x5f: {  	_ =	shalt  }
0x60: {  	_ =	shalt  }
0x61: {  	_ =	shalt  }
0x62: {  	_ =	shalt  }
0x63: {  	_ =	shalt  }
0x64: {  	_ =	shalt  }
0x65: {  	_ =	shalt  }
0x66: {  	_ =	shalt  }
0x67: {  	_ =	shalt  }
0x68: {  	_ =	shalt  }
0x69: {  	_ =	shalt  }
0x6a: {  	_ =	shalt  }
0x6b: {  	_ =	shalt  }
0x6c: {  	_ =	shalt  }
0x6d: {  	_ =	shalt  }
0x6e: {  	_ =	shalt  }
0x6f: {  	_ =	shalt  }
0x70: {  	_ =	shalt  }
0x71: {  	_ =	shalt  }
0x72: {  	_ =	shalt  }
0x73: {  	_ =	shalt  }
0x74: {  	_ =	shalt  }
0x75: {  	_ =	shalt  }
0x76: {  	_ =	shalt  }
0x77: {  	_ =	shalt  }
0x78: {  	_ =	shalt  }
0x79: {  	_ =	shalt  }
0x7a: {  	_ =	shalt  }
0x7b: {  	_ =	shalt  }
0x7c: {  	_ =	shalt  }
0x7d: {  	_ =	shalt  }
0x7e: {  	_ =	shalt  }
0x7f: {  	_ =	shalt  }
0x80: {  	_ =	shalt  }
0x81: {  	_ =	shalt  }
0x82: {  	_ =	shalt  }
0x83: {  	_ =	shalt  }
0x84: {  	_ =	shalt  }
0x85: {  	_ =	shalt  }
0x86: {  	_ =	shalt  }
0x87: {  	_ =	shalt  }
.Lfunc_end0:
.L_simem_size_0:
called_computation_lowered:
.L_overlay_start_0:
0x88: {  	s2 =	sld [smem:$0x3FD9]  }
0x89: {  	s3 =	sld [smem:$0x3FFE];
	_ =	sdelay $0x1  }
0x8a: {  	s1 =	srdreg.scid  }
0x8b: {  	s0 =	sand.u32 $0x1, s1  }
0x8c: {  	s17 =	sshll.u32 s0, $0xA;
	s2 =	sadd.s32 s3, s2  }
0x8d: {  	s2 =	sadd.s32 s2, s17  }
0x8e: {  	[smem:$0x3FC4] =	sst s2  }
0x8f: {  	_ = 	snop  }
0x90: {  	s2 =	sld [smem:$0x3FC6];
	(tm) =	ssettm $0x1  }
0x91: {  	s18 =	sld [smem:$0x3FFB];
	_ =	sdelay $0x3  }
0x92: {  	_ =	strace s18  }
0x93: {  	s3 =	sld [smem:$0x3FFC];
	_ =	sdelay $0x3  }
0x94: {  	_ =	strace s3  }
0x95: {  	s3 =	sld [smem:$0x3FFD];
	_ =	sdelay $0x3  }
0x96: {  	_ =	strace s3  }
0x97: {  	_ =	strace $0x8FFFFFFF  }
0x98: {  	s19 =	sld [smem:$0x3FDB];
	_ =	sdelay $0x1  }
0x99: {  	s4 =	simm.s32 $_scs_section_size  }
0x9a: {  	s5 =	simm.s32 $_size__tile_overlayer_lowered;
	s6 =	simm.s32 $_tile_overlayer_lowered  }
0x9b: {  	s22 =	simm.s32 $0x1BFF;
	s21 =	sshll.u32 s6, $0x1;
	s3 =	sadd.s32 s4, s19  }
0x9c: {  	s7 =	simm.s32 $0x0;
	s20 =	sshll.u32 s5, $0x1;
	s5 =	sadd.s32 s21, s3  }
0x9d: {  	[timem:s7], [sflag:s22] =	dma.local [hbm:s5], s20  }
0x9e: {  	_ =	swait.ge [sflag:s22], s20  }
0x9f: {  	s4 =	ssub.s32 $0x0, s20;
	[sflag:s22] =	ssyncset.done $0x0  }
0xa0: {  	[sflag:s22] =	ssyncadd.s32 s4;
	_ =	sdelay $0x1  }
0xa1: {  	s23 =	simm.s32 $0x1B8B  }
0xa2: {  	_ =	swait.ge [sflag:s23], $0x1  }
0xa3: {  	[sflag:s23] =	ssyncset.done $0x0  }
0xa4: {  	s25 =	simm.s32 $0x1B8E;
	s24 =	sld [smem:$0x3FFE];
	[sflag:s23] =	ssyncadd.s32 $0xFFFFFFFF  }
0xa5: {  	s26 =	simm.s32 $execute0_lowered;
	[smem:$0x3FD2] =	sst s25  }
0xa6: {  	s5 =	sshll.u32 s26, $0x1;
	_ =	strace $0x80000046;
	[dreg:$0x1] =	wrdreg $0xFFFFFFFF  }
0xa7: {  	s28 =	simm.s32 $_size_execute0_lowered;
	s3 =	sadd.s32 s3, s5;
	[dreg:$0x0] =	wrdreg $0x0  }
0xa8: {  	s5 =	sshll.u32 s28, $0x1;
	[dreg:$0x2] =	wrdreg s3  }
0xa9: {  	[dreg:$0x3] =	wrdreg s5  }
0xaa: {  	[dreg:$0x4] =	wrdreg $0xC0  }
0xab: {  	_ =	task [dreg:s7], $0x5FFFF  }
0xac: {  	[dreg:$0x1] =	wrdreg $0xFFFFFFFF  }
0xad: {  	[dreg:$0x0] =	wrdreg $0x60  }
0xae: {  	[dreg:$0x2] =	wrdreg s24  }
0xaf: {  	[dreg:$0x3] =	wrdreg s2  }
0xb0: {  	[dreg:$0x4] =	wrdreg $0x9  }
0xb1: {  	_ =	task.clear_ibuf [dreg:s7], $0x5FFFF;
	_ =	strace $0x90000046  }
0xb2: {  	s29 =	simm.s32 $0x9;
	_ =	strace $0x80000048  }
0xb3: {  	_ =	swait.ge [sflag:s29], $0x1  }
0xb4: {  	[sflag:s29] =	ssyncadd.s32 $0xFFFFFFFF  }
0xb5: {  	_ =	strace $0x90000048  }
0xb6: {  	_ =	sfence  }
0xb7: {  	s30 =	sld [smem:$0x0];
	_ =	sdelay $0x2  }
0xb8: {  	s31 =	sshll.u32 s1, $0xD;
	s1 =	sshrl.u32 s1, $0x2  }
0xb9: {  	s3 =	sand.u32 $0x4000, s31;
	s1 =	sadd.s32 s1, s30  }
0xba: {  	s0 =	sor.u32 s3, s0;
	s1 =	sshll.u32 s1, $0x11  }
0xbb: {  	s0 =	sor.u32 s1, s0  }
0xbc: {  	s0 =	sadd.s32 $0x8F2B, s0  }
0xbd: {  	[sflag:s0] =	ssyncadd.remote.s32 $0x1  }
0xbe: {  	_ =	sfence.sel $0xFFFF  }
0xbf: {  	[dreg:$0x0] =	wrdreg $0xFFFFFFFF;
	(pc) =	sbr.abs _section_cstart, $3  }
0xc0: {  	[dreg:$0x1] =	wrdreg $0xFFFFFFFF  }
0xc1: {  	_ =	task.clear_ibuf [dreg:s7], $0x2FFFF;
	_ =	strace $0x9FFFFFFF  }
0xc2: {  	(tm) =	ssettm $0x7FFFFFFF  }
0xc3: {  	_ =	shalt  }
tec
execute0_lowered:
.L_overlay_start_1:
0x0: {  	(tag) =	ssettag $0x1  }
0x1: {  	s9 =	rddreg [dreg:$0x0]  }
0x2: {  	s13 =	rddreg [dreg:$0x1]  }
0x3: {  	s0 =	rddreg [dreg:$0x2]  }
0x4: {  	s1 =	simm.s32 $0x0;
	s6 =	srdreg.scid;
	s2 =	stileid.u32  }
0x5: {  	s17 =	simm.s32 $0x380;
	s18 =	simm.s32 $0x400;
	s19 =	simm.s32 $0x480  }
0x6: {  	s20 =	simm.s32 $0x500;
	s21 =	simm.s32 $0x80;
	s22 =	simm.s32 $0x100  }
0x7: {  	s23 =	simm.s32 $0x180;
	s24 =	simm.s32 $0x200;
	s25 =	simm.s32 $0x280  }
0x8: {  	s26 =	simm.s32 $0x300;
	s28 =	simm.s32 $0x1;
	s29 =	simm.s32 $0x580  }
0x9: {  	[smem:$0x7FF] =	sst s1;
	s3 =	sadd.s32 $0x1600, s9;
	s4 =	sadd.s32 $0xE00, s9  }
0xa: {  	s5 =	sadd.s32 $0x600, s9;
	s8 =	sand.u32 $0x1, s6;
	s6 =	sadd.s32 $0x3400, s9  }
0xb: {  	s10 =	sshll.u32 s2, $0x5;
	s7 =	sadd.s32 $0x2C00, s9;
	s11 =	sshll.u32 s8, $0x4  }
0xc: {  	_ =	strace $0x80000047;
	s30 =	ssub.s32 $0x2, s8;
	s14 =	sor.u32 s11, s10  }
0xd: {  	s8 =	sadd.s32 $0x2400, s9;
	s31 =	sshrl.u32 s30, $0x1;
	s15 =	sadd.s32 s14, s9  }
0xe: {  	s16 =	ssub.s32 s30, s31;
	s13 =	sadd.s32 s13, s14;
	s9 =	sadd.s32 $0x3C00, s15  }
0xf: {  	s10 =	sadd.s32 $0x2200, s15;
	s11 =	sadd.s32 $0x2000, s15;
	s12 =	sadd.s32 $0x1E00, s15  }
0x10: {  	s14 =	sadd.s32 $0x3E00, s15;
	s15 =	smax.u32 s16, $0x1;
	s16 =	simm.s32 $0x2  }
.LBB2_1:
0x11: {  	[tilespmem:s1], [sflag:$0x2] =	stream.linear.gather [hbm4b:s9+s1], $0x80, $0x38;
	[tilespmem:$0x600] =	vst v63  }
0x12: {  	_ =	swait.ge [sflag:s16], $0x80  }
0x13: {  	[sflag:s16] =	ssyncset.done $0x0  }
0x14: {  	[sflag:s16] =	ssyncadd.s32 $0xFFFFFF80  }
0x15: {  	[tilespmem:s17], [sflag:$0x2] =	stream.linear.gather [hbm4b:s10+s1], $0x80, $0x38;
	[tilespmem:$0x600] =	vst v63  }
0x16: {  	_ =	swait.ge [sflag:s16], $0x80  }
0x17: {  	[sflag:s16] =	ssyncset.done $0x0  }
0x18: {  	[sflag:s16] =	ssyncadd.s32 $0xFFFFFF80  }
0x19: {  	[tilespmem:s18], [sflag:$0x2] =	stream.linear.gather [hbm4b:s11+s1], $0x80, $0x38;
	[tilespmem:$0x600] =	vst v63  }
0x1a: {  	_ =	swait.ge [sflag:s16], $0x80  }
0x1b: {  	[sflag:s16] =	ssyncset.done $0x0  }
0x1c: {  	[sflag:s16] =	ssyncadd.s32 $0xFFFFFF80  }
0x1d: {  	[tilespmem:s19], [sflag:$0x2] =	stream.linear.gather [hbm4b:s12+s1], $0x80, $0x38;
	[tilespmem:$0x600] =	vst v63  }
0x1e: {  	_ =	swait.ge [sflag:s16], $0x80  }
0x1f: {  	[sflag:s16] =	ssyncset.done $0x0  }
0x20: {  	[sflag:s16] =	ssyncadd.s32 $0xFFFFFF80  }
0x21: {  	[tilespmem:s20], [sflag:$0x2] =	stream.linear.gather [hbm4b:s13+s1], $0x80, $0x38;
	[tilespmem:$0x600] =	vst v63  }
0x22: {  	_ =	swait.ge [sflag:s16], $0x80  }
0x23: {  	[sflag:s16] =	ssyncset.done $0x0  }
0x24: {  	[sflag:s16] =	ssyncadd.s32 $0xFFFFFF80  }
0x25: {  	[tilespmem:s21], [sflag:$0x1] =	stream.indirect.gather [hbm4b:s3+s21], $0x1, s1, s21, $0xb8;
	[tilespmem:$0x600] =	vst v63  }
0x26: {  	_ = 	snop  }
0x27: {  	[tilespmem:s22], [sflag:$0x1] =	stream.indirect.gather [hbm4b:s4+s21], $0x1, s1, s21, $0xb8;
	[tilespmem:$0x600] =	vst v63  }
0x28: {  	_ = 	snop  }
0x29: {  	[tilespmem:s23], [sflag:$0x1] =	stream.indirect.gather [hbm4b:s5+s21], $0x1, s1, s21, $0xb8;
	[tilespmem:$0x600] =	vst v63  }
0x2a: {  	_ = 	snop  }
0x2b: {  	[tilespmem:s24], [sflag:$0x1] =	stream.indirect.gather [hbm4b:s6+s21], $0x1, s1, s21, $0xb8;
	[tilespmem:$0x600] =	vst v63  }
0x2c: {  	_ = 	snop  }
0x2d: {  	[tilespmem:s25], [sflag:$0x1] =	stream.indirect.gather [hbm4b:s7+s21], $0x1, s1, s21, $0xb8;
	[tilespmem:$0x600] =	vst v63  }
0x2e: {  	_ = 	snop  }
0x2f: {  	[tilespmem:s26], [sflag:$0x1] =	stream.indirect.gather [hbm4b:s8+s21], $0x1, s1, s21, $0xb8;
	[tilespmem:$0x600] =	vst v63  }
0x30: {  	_ =	swait.ge [sflag:s28], $0x80  }
0x31: {  	[sflag:s28] =	ssyncset.done $0x0  }
0x32: {  	[sflag:s28] =	ssyncadd.s32 $0xFFFFFF80  }
0x33: {  	_ =	swait.ge [sflag:s28], $0x80  }
0x34: {  	[sflag:s28] =	ssyncset.done $0x0  }
0x35: {  	[sflag:s28] =	ssyncadd.s32 $0xFFFFFF80  }
0x36: {  	_ =	swait.ge [sflag:s28], $0x80  }
0x37: {  	[sflag:s28] =	ssyncset.done $0x0  }
0x38: {  	[sflag:s28] =	ssyncadd.s32 $0xFFFFFF80  }
0x39: {  	_ =	swait.ge [sflag:s28], $0x80  }
0x3a: {  	[sflag:s28] =	ssyncset.done $0x0  }
0x3b: {  	[sflag:s28] =	ssyncadd.s32 $0xFFFFFF80  }
0x3c: {  	_ =	swait.ge [sflag:s28], $0x80  }
0x3d: {  	[sflag:s28] =	ssyncset.done $0x0  }
0x3e: {  	[sflag:s28] =	ssyncadd.s32 $0xFFFFFF80  }
0x3f: {  	_ =	swait.ge [sflag:s28], $0x80  }
0x40: {  	[sflag:s28] =	ssyncset.done $0x0  }
0x41: {  	[sflag:s28] =	ssyncadd.s32 $0xFFFFFF80  }
0x42: {  	v0 =	vld [tilespmem:$0x200];
	_ =	sdelay $0x4  }
0x43: {  	v0 =	vmul.f32 $1.442695020e+00, v0;
	_ =	sdelay $0x1  }
0x44: {  	(erf) = vpow2.f32 v0;
	_ =	sdelay $0x5  }
0x45: {  	v45 =	vld [tilespmem:$0x280];
	_ =	sdelay $0x2  }
0x46: {  	v1 =	vpop (erf)  }
0x47: {  	v1 =	vadd.f32 $9.999999970e-07, v1  }
0x48: {  	v0 =	vmul.f32 $1.442695020e+00, v45  }
0x49: {  	(erf) = vrcp.f32 v1  }
0x4a: {  	(erf) = vpow2.f32 v0;
	_ =	sdelay $0x5  }
0x4b: {  	v46 =	vld [tilespmem:$0x300];
	_ =	sdelay $0x1  }
0x4c: {  	v1 =	vpop (erf)  }
0x4d: {  	v2 =	vpop (erf)  }
0x4e: {  	v2 =	vadd.f32 $9.999999970e-07, v2  }
0x4f: {  	v0 =	vmul.f32 $1.442695020e+00, v46  }
0x50: {  	(erf) = vrcp.f32 v2  }
0x51: {  	(erf) = vpow2.f32 v0;
	_ =	sdelay $0x7  }
0x52: {  	v47 =	vpop (erf)  }
0x53: {  	v48 =	vpop (erf)  }
0x54: {  	v3 =	vld [tilespmem:$0x380];
	v2 =	vadd.f32 $9.999999970e-07, v48  }
0x55: {  	v4 =	vld [tilespmem:$0x80]  }
0x56: {  	v5 =	vld [tilespmem:$0x400];
	(erf) = vrcp.f32 v2  }
0x57: {  	v49 =	vld [tilespmem:$0x100]  }
0x58: {  	v6 =	vld [tilespmem:$0x480]  }
0x59: {  	v7 =	vld [tilespmem:$0x180];
	_ =	sdelay $0x1  }
0x5a: {  	v3 =	vsub.f32 v3, v4  }
0x5b: {  	v2 =	vsub.f32 v5, v49  }
0x5c: {  	v1 =	vmul.f32 v1, v3  }
0x5d: {  	v50 =	vsub.f32 v6, v7;
	v0 =	vmul.f32 v47, v2  }
0x5e: {  	v1 =	vmul.f32 v1, v1;
	v51 =	vpop (erf)  }
0x5f: {  	v0 =	vmul.f32 v0, v0;
	v2 =	vmul.f32 v51, v50;
	_ =	sdelay $0x1  }
0x60: {  	v0 =	vadd.f32 v0, v1;
	v52 =	vmul.f32 v2, v2;
	_ =	sdelay $0x1  }
0x61: {  	v0 =	vadd.f32 v52, v0;
	_ =	sdelay $0x1  }
0x62: {  	v1 =	vshra.s32 v0, $0x1  }
0x63: {  	v1 =	vadd.s32 $0x1FBD1DF5, v1  }
0x64: {  	(erf) = vrcp.f32 v1;
	_ =	sdelay $0x8  }
0x65: {  	v53 =	vpop (erf)  }
0x66: {  	v2 =	vmul.f32 v53, v0;
	_ =	sdelay $0x1  }
0x67: {  	v1 =	vadd.f32 v1, v2;
	_ =	sdelay $0x1  }
0x68: {  	v1 =	vmul.f32 $5.000000000e-01, v1;
	_ =	sdelay $0x1  }
0x69: {  	(erf) = vrcp.f32 v1;
	_ =	sdelay $0x8  }
0x6a: {  	v54 =	vpop (erf)  }
0x6b: {  	v55 =	vld [tilespmem:$0x210];
	v2 =	vmul.f32 v54, v0;
	_ =	sdelay $0x1  }
0x6c: {  	v1 =	vadd.f32 v2, v1;
	_ =	sdelay $0x1  }
0x6d: {  	v1 =	vmul.f32 $5.000000000e-01, v1  }
0x6e: {  	v56 =	vmul.f32 $1.442695020e+00, v55  }
0x6f: {  	(erf) = vrcp.f32 v1  }
0x70: {  	(erf) = vpow2.f32 v56;
	_ =	sdelay $0x5  }
0x71: {  	v57 =	vld [tilespmem:$0x290];
	_ =	sdelay $0x1  }
0x72: {  	v2 =	vpop (erf)  }
0x73: {  	v58 =	vpop (erf)  }
0x74: {  	v4 =	vadd.f32 $9.999999970e-07, v58  }
0x75: {  	v3 =	vmul.f32 $1.442695020e+00, v57  }
0x76: {  	(erf) = vrcp.f32 v4  }
0x77: {  	(erf) = vpow2.f32 v3;
	_ =	sdelay $0x5  }
0x78: {  	v59 =	vld [tilespmem:$0x310];
	_ =	sdelay $0x1  }
0x79: {  	v4 =	vpop (erf)  }
0x7a: {  	v60 =	vpop (erf)  }
0x7b: {  	v5 =	vadd.f32 $9.999999970e-07, v60  }
0x7c: {  	v3 =	vmul.f32 $1.442695020e+00, v59  }
0x7d: {  	(erf) = vrcp.f32 v5  }
0x7e: {  	(erf) = vpow2.f32 v3;
	_ =	sdelay $0x7  }
0x7f: {  	v61 =	vpop (erf)  }
0x80: {  	v62 =	vpop (erf)  }
0x81: {  	v63 =	vld [tilespmem:$0x390];
	v5 =	vadd.f32 $9.999999970e-07, v62  }
0x82: {  	v12 =	vld [tilespmem:$0x90]  }
0x83: {  	v8 =	vld [tilespmem:$0x410];
	(erf) = vrcp.f32 v5  }
0x84: {  	v13 =	vld [tilespmem:$0x110]  }
0x85: {  	v9 =	vld [tilespmem:$0x490]  }
0x86: {  	v10 =	vld [tilespmem:$0x190];
	_ =	sdelay $0x1  }
0x87: {  	v6 =	vsub.f32 v63, v12  }
0x88: {  	v5 =	vsub.f32 v8, v13  }
0x89: {  	v4 =	vmul.f32 v4, v6  }
0x8a: {  	v14 =	vsub.f32 v9, v10;
	v3 =	vmul.f32 v61, v5  }
0x8b: {  	v4 =	vmul.f32 v4, v4;
	v15 =	vpop (erf)  }
0x8c: {  	v3 =	vmul.f32 v3, v3;
	v5 =	vmul.f32 v15, v14;
	_ =	sdelay $0x1  }
0x8d: {  	v3 =	vadd.f32 v3, v4;
	v16 =	vmul.f32 v5, v5;
	_ =	sdelay $0x1  }
0x8e: {  	v3 =	vadd.f32 v16, v3;
	_ =	sdelay $0x1  }
0x8f: {  	v4 =	vshra.s32 v3, $0x1  }
0x90: {  	v4 =	vadd.s32 $0x1FBD1DF5, v4  }
0x91: {  	(erf) = vrcp.f32 v4;
	_ =	sdelay $0x8  }
0x92: {  	v17 =	vpop (erf)  }
0x93: {  	v5 =	vmul.f32 v17, v3;
	_ =	sdelay $0x1  }
0x94: {  	v4 =	vadd.f32 v4, v5;
	_ =	sdelay $0x1  }
0x95: {  	v4 =	vmul.f32 $5.000000000e-01, v4;
	_ =	sdelay $0x1  }
0x96: {  	(erf) = vrcp.f32 v4;
	_ =	sdelay $0x8  }
0x97: {  	v18 =	vpop (erf)  }
0x98: {  	v19 =	vld [tilespmem:$0x220];
	v5 =	vmul.f32 v18, v3;
	_ =	sdelay $0x1  }
0x99: {  	v4 =	vadd.f32 v5, v4;
	_ =	sdelay $0x1  }
0x9a: {  	v4 =	vmul.f32 $5.000000000e-01, v4  }
0x9b: {  	v20 =	vmul.f32 $1.442695020e+00, v19  }
0x9c: {  	(erf) = vrcp.f32 v4  }
0x9d: {  	(erf) = vpow2.f32 v20;
	_ =	sdelay $0x5  }
0x9e: {  	v21 =	vld [tilespmem:$0x2A0];
	_ =	sdelay $0x1  }
0x9f: {  	v5 =	vpop (erf)  }
0xa0: {  	v22 =	vpop (erf)  }
0xa1: {  	v7 =	vadd.f32 $9.999999970e-07, v22  }
0xa2: {  	v6 =	vmul.f32 $1.442695020e+00, v21  }
0xa3: {  	(erf) = vrcp.f32 v7  }
0xa4: {  	(erf) = vpow2.f32 v6;
	_ =	sdelay $0x5  }
0xa5: {  	v23 =	vld [tilespmem:$0x320];
	_ =	sdelay $0x1  }
0xa6: {  	v7 =	vpop (erf)  }
0xa7: {  	v24 =	vpop (erf)  }
0xa8: {  	v8 =	vadd.f32 $9.999999970e-07, v24  }
0xa9: {  	v6 =	vmul.f32 $1.442695020e+00, v23  }
0xaa: {  	(erf) = vrcp.f32 v8  }
0xab: {  	(erf) = vpow2.f32 v6;
	_ =	sdelay $0x7  }
0xac: {  	v25 =	vpop (erf)  }
0xad: {  	v26 =	vpop (erf)  }
0xae: {  	v27 =	vld [tilespmem:$0x3A0];
	v8 =	vadd.f32 $9.999999970e-07, v26  }
0xaf: {  	v28 =	vld [tilespmem:$0xA0]  }
0xb0: {  	v11 =	vld [tilespmem:$0x420];
	(erf) = vrcp.f32 v8  }
0xb1: {  	v29 =	vld [tilespmem:$0x120]  }
0xb2: {  	v12 =	vld [tilespmem:$0x4A0]  }
0xb3: {  	v13 =	vld [tilespmem:$0x1A0];
	_ =	sdelay $0x1  }
0xb4: {  	v9 =	vsub.f32 v27, v28  }
0xb5: {  	v8 =	vsub.f32 v11, v29  }
0xb6: {  	v7 =	vmul.f32 v7, v9  }
0xb7: {  	v30 =	vsub.f32 v12, v13;
	v6 =	vmul.f32 v25, v8  }
0xb8: {  	v7 =	vmul.f32 v7, v7;
	v31 =	vpop (erf)  }
0xb9: {  	v6 =	vmul.f32 v6, v6;
	v8 =	vmul.f32 v31, v30;
	_ =	sdelay $0x1  }
0xba: {  	v6 =	vadd.f32 v6, v7;
	v32 =	vmul.f32 v8, v8;
	_ =	sdelay $0x1  }
0xbb: {  	v6 =	vadd.f32 v32, v6;
	_ =	sdelay $0x1  }
0xbc: {  	v7 =	vshra.s32 v6, $0x1  }
0xbd: {  	v7 =	vadd.s32 $0x1FBD1DF5, v7  }
0xbe: {  	(erf) = vrcp.f32 v7;
	_ =	sdelay $0x8  }
0xbf: {  	v33 =	vpop (erf)  }
0xc0: {  	v8 =	vmul.f32 v33, v6;
	_ =	sdelay $0x1  }
0xc1: {  	v7 =	vadd.f32 v7, v8;
	_ =	sdelay $0x1  }
0xc2: {  	v7 =	vmul.f32 $5.000000000e-01, v7;
	_ =	sdelay $0x1  }
0xc3: {  	(erf) = vrcp.f32 v7;
	_ =	sdelay $0x8  }
0xc4: {  	v34 =	vpop (erf)  }
0xc5: {  	v35 =	vld [tilespmem:$0x230];
	v8 =	vmul.f32 v34, v6;
	_ =	sdelay $0x1  }
0xc6: {  	v7 =	vadd.f32 v8, v7;
	_ =	sdelay $0x1  }
0xc7: {  	v7 =	vmul.f32 $5.000000000e-01, v7  }
0xc8: {  	v36 =	vmul.f32 $1.442695020e+00, v35  }
0xc9: {  	(erf) = vrcp.f32 v7  }
0xca: {  	(erf) = vpow2.f32 v36;
	_ =	sdelay $0x5  }
0xcb: {  	v37 =	vld [tilespmem:$0x2B0];
	_ =	sdelay $0x1  }
0xcc: {  	v8 =	vpop (erf)  }
0xcd: {  	v38 =	vpop (erf)  }
0xce: {  	v10 =	vadd.f32 $9.999999970e-07, v38  }
0xcf: {  	v9 =	vmul.f32 $1.442695020e+00, v37  }
0xd0: {  	(erf) = vrcp.f32 v10  }
0xd1: {  	(erf) = vpow2.f32 v9;
	_ =	sdelay $0x5  }
0xd2: {  	v39 =	vld [tilespmem:$0x330];
	_ =	sdelay $0x1  }
0xd3: {  	v10 =	vpop (erf)  }
0xd4: {  	v40 =	vpop (erf)  }
0xd5: {  	v11 =	vadd.f32 $9.999999970e-07, v40  }
0xd6: {  	v9 =	vmul.f32 $1.442695020e+00, v39  }
0xd7: {  	(erf) = vrcp.f32 v11  }
0xd8: {  	(erf) = vpow2.f32 v9;
	_ =	sdelay $0x7  }
0xd9: {  	v41 =	vpop (erf)  }
0xda: {  	v42 =	vpop (erf)  }
0xdb: {  	v43 =	vld [tilespmem:$0x3B0];
	v11 =	vadd.f32 $9.999999970e-07, v42  }
0xdc: {  	v44 =	vld [tilespmem:$0xB0]  }
0xdd: {  	v45 =	vld [tilespmem:$0x130];
	(erf) = vrcp.f32 v11  }
0xde: {  	v14 =	vld [tilespmem:$0x430]  }
0xdf: {  	v15 =	vld [tilespmem:$0x4B0]  }
0xe0: {  	v16 =	vld [tilespmem:$0x1B0];
	_ =	sdelay $0x1  }
0xe1: {  	v12 =	vsub.f32 v43, v44  }
0xe2: {  	v11 =	vsub.f32 v14, v45  }
0xe3: {  	v10 =	vmul.f32 v10, v12  }
0xe4: {  	v46 =	vsub.f32 v15, v16;
	v9 =	vmul.f32 v41, v11  }
0xe5: {  	v10 =	vmul.f32 v10, v10;
	v47 =	vpop (erf)  }
0xe6: {  	v9 =	vmul.f32 v9, v9;
	v11 =	vmul.f32 v47, v46;
	_ =	sdelay $0x1  }
0xe7: {  	v9 =	vadd.f32 v9, v10;
	v48 =	vmul.f32 v11, v11;
	_ =	sdelay $0x1  }
0xe8: {  	v9 =	vadd.f32 v48, v9;
	_ =	sdelay $0x1  }
0xe9: {  	v10 =	vshra.s32 v9, $0x1  }
0xea: {  	v10 =	vadd.s32 $0x1FBD1DF5, v10  }
0xeb: {  	(erf) = vrcp.f32 v10;
	_ =	sdelay $0x8  }
0xec: {  	v49 =	vpop (erf)  }
0xed: {  	v11 =	vmul.f32 v49, v9;
	_ =	sdelay $0x1  }
0xee: {  	v10 =	vadd.f32 v10, v11;
	_ =	sdelay $0x1  }
0xef: {  	v10 =	vmul.f32 $5.000000000e-01, v10;
	_ =	sdelay $0x1  }
0xf0: {  	(erf) = vrcp.f32 v10;
	_ =	sdelay $0x8  }
0xf1: {  	v50 =	vpop (erf)  }
0xf2: {  	v51 =	vld [tilespmem:$0x240];
	v11 =	vmul.f32 v50, v9;
	_ =	sdelay $0x1  }
0xf3: {  	v10 =	vadd.f32 v11, v10;
	_ =	sdelay $0x1  }
0xf4: {  	v10 =	vmul.f32 $5.000000000e-01, v10  }
0xf5: {  	v52 =	vmul.f32 $1.442695020e+00, v51  }
0xf6: {  	(erf) = vrcp.f32 v10  }
0xf7: {  	(erf) = vpow2.f32 v52;
	_ =	sdelay $0x5  }
0xf8: {  	v53 =	vld [tilespmem:$0x2C0];
	_ =	sdelay $0x1  }
0xf9: {  	v11 =	vpop (erf)  }
0xfa: {  	v54 =	vpop (erf)  }
0xfb: {  	v13 =	vadd.f32 $9.999999970e-07, v54  }
0xfc: {  	v12 =	vmul.f32 $1.442695020e+00, v53  }
0xfd: {  	(erf) = vrcp.f32 v13  }
0xfe: {  	(erf) = vpow2.f32 v12;
	_ =	sdelay $0x5  }
0xff: {  	v55 =	vld [tilespmem:$0x340];
	_ =	sdelay $0x1  }
0x100: {  	v13 =	vpop (erf)  }
0x101: {  	v56 =	vpop (erf)  }
0x102: {  	v14 =	vadd.f32 $9.999999970e-07, v56  }
0x103: {  	v12 =	vmul.f32 $1.442695020e+00, v55  }
0x104: {  	(erf) = vrcp.f32 v14  }
0x105: {  	(erf) = vpow2.f32 v12;
	_ =	sdelay $0x7  }
0x106: {  	v57 =	vpop (erf)  }
0x107: {  	v58 =	vpop (erf)  }
0x108: {  	v59 =	vld [tilespmem:$0x3C0];
	v14 =	vadd.f32 $9.999999970e-07, v58  }
0x109: {  	v60 =	vld [tilespmem:$0xC0]  }
0x10a: {  	v61 =	vld [tilespmem:$0x140];
	(erf) = vrcp.f32 v14  }
0x10b: {  	v17 =	vld [tilespmem:$0x440]  }
0x10c: {  	v19 =	vld [tilespmem:$0x1C0]  }
0x10d: {  	v18 =	vld [tilespmem:$0x4C0];
	_ =	sdelay $0x1  }
0x10e: {  	v15 =	vsub.f32 v59, v60  }
0x10f: {  	v14 =	vsub.f32 v17, v61  }
0x110: {  	v13 =	vmul.f32 v13, v15  }
0x111: {  	v62 =	vsub.f32 v18, v19;
	v12 =	vmul.f32 v57, v14  }
0x112: {  	v13 =	vmul.f32 v13, v13;
	v63 =	vpop (erf)  }
0x113: {  	v12 =	vmul.f32 v12, v12;
	v14 =	vmul.f32 v63, v62;
	_ =	sdelay $0x1  }
0x114: {  	v12 =	vadd.f32 v12, v13;
	v17 =	vmul.f32 v14, v14;
	_ =	sdelay $0x1  }
0x115: {  	v12 =	vadd.f32 v17, v12;
	_ =	sdelay $0x1  }
0x116: {  	v13 =	vshra.s32 v12, $0x1  }
0x117: {  	v13 =	vadd.s32 $0x1FBD1DF5, v13  }
0x118: {  	(erf) = vrcp.f32 v13;
	_ =	sdelay $0x8  }
0x119: {  	v18 =	vpop (erf)  }
0x11a: {  	v14 =	vmul.f32 v18, v12;
	_ =	sdelay $0x1  }
0x11b: {  	v13 =	vadd.f32 v13, v14;
	_ =	sdelay $0x1  }
0x11c: {  	v13 =	vmul.f32 $5.000000000e-01, v13;
	_ =	sdelay $0x1  }
0x11d: {  	(erf) = vrcp.f32 v13;
	_ =	sdelay $0x8  }
0x11e: {  	v19 =	vpop (erf)  }
0x11f: {  	v20 =	vld [tilespmem:$0x250];
	v14 =	vmul.f32 v19, v12;
	_ =	sdelay $0x1  }
0x120: {  	v13 =	vadd.f32 v14, v13;
	_ =	sdelay $0x1  }
0x121: {  	v13 =	vmul.f32 $5.000000000e-01, v13  }
0x122: {  	v21 =	vmul.f32 $1.442695020e+00, v20  }
0x123: {  	(erf) = vrcp.f32 v13  }
0x124: {  	(erf) = vpow2.f32 v21;
	_ =	sdelay $0x5  }
0x125: {  	v22 =	vld [tilespmem:$0x2D0];
	_ =	sdelay $0x1  }
0x126: {  	v14 =	vpop (erf)  }
0x127: {  	v23 =	vpop (erf)  }
0x128: {  	v16 =	vadd.f32 $9.999999970e-07, v23  }
0x129: {  	v15 =	vmul.f32 $1.442695020e+00, v22  }
0x12a: {  	(erf) = vrcp.f32 v16  }
0x12b: {  	(erf) = vpow2.f32 v15;
	_ =	sdelay $0x5  }
0x12c: {  	v24 =	vld [tilespmem:$0x350];
	_ =	sdelay $0x1  }
0x12d: {  	v16 =	vpop (erf)  }
0x12e: {  	v25 =	vpop (erf)  }
0x12f: {  	v17 =	vadd.f32 $9.999999970e-07, v25  }
0x130: {  	v15 =	vmul.f32 $1.442695020e+00, v24  }
0x131: {  	(erf) = vrcp.f32 v17  }
0x132: {  	(erf) = vpow2.f32 v15;
	_ =	sdelay $0x7  }
0x133: {  	v26 =	vpop (erf)  }
0x134: {  	v27 =	vpop (erf)  }
0x135: {  	v28 =	vld [tilespmem:$0x3D0];
	v17 =	vadd.f32 $9.999999970e-07, v27  }
0x136: {  	v20 =	vld [tilespmem:$0x450]  }
0x137: {  	v29 =	vld [tilespmem:$0xD0];
	(erf) = vrcp.f32 v17  }
0x138: {  	v30 =	vld [tilespmem:$0x150]  }
0x139: {  	v22 =	vld [tilespmem:$0x1D0]  }
0x13a: {  	v21 =	vld [tilespmem:$0x4D0];
	_ =	sdelay $0x1  }
0x13b: {  	v18 =	vsub.f32 v28, v29  }
0x13c: {  	v17 =	vsub.f32 v20, v30  }
0x13d: {  	v16 =	vmul.f32 v16, v18  }
0x13e: {  	v31 =	vsub.f32 v21, v22;
	v15 =	vmul.f32 v26, v17  }
0x13f: {  	v16 =	vmul.f32 v16, v16;
	v32 =	vpop (erf)  }
0x140: {  	v15 =	vmul.f32 v15, v15;
	v17 =	vmul.f32 v32, v31;
	_ =	sdelay $0x1  }
0x141: {  	v15 =	vadd.f32 v15, v16;
	v33 =	vmul.f32 v17, v17;
	_ =	sdelay $0x1  }
0x142: {  	v15 =	vadd.f32 v33, v15;
	_ =	sdelay $0x1  }
0x143: {  	v16 =	vshra.s32 v15, $0x1  }
0x144: {  	v16 =	vadd.s32 $0x1FBD1DF5, v16  }
0x145: {  	(erf) = vrcp.f32 v16;
	_ =	sdelay $0x8  }
0x146: {  	v34 =	vpop (erf)  }
0x147: {  	v17 =	vmul.f32 v34, v15;
	_ =	sdelay $0x1  }
0x148: {  	v16 =	vadd.f32 v16, v17;
	_ =	sdelay $0x1  }
0x149: {  	v16 =	vmul.f32 $5.000000000e-01, v16;
	_ =	sdelay $0x1  }
0x14a: {  	(erf) = vrcp.f32 v16;
	_ =	sdelay $0x8  }
0x14b: {  	v35 =	vpop (erf)  }
0x14c: {  	v36 =	vld [tilespmem:$0x260];
	v17 =	vmul.f32 v35, v15;
	_ =	sdelay $0x1  }
0x14d: {  	v16 =	vadd.f32 v17, v16;
	_ =	sdelay $0x1  }
0x14e: {  	v16 =	vmul.f32 $5.000000000e-01, v16  }
0x14f: {  	v37 =	vmul.f32 $1.442695020e+00, v36  }
0x150: {  	(erf) = vrcp.f32 v16  }
0x151: {  	(erf) = vpow2.f32 v37;
	_ =	sdelay $0x5  }
0x152: {  	v38 =	vld [tilespmem:$0x2E0];
	_ =	sdelay $0x1  }
0x153: {  	v17 =	vpop (erf)  }
0x154: {  	v39 =	vpop (erf)  }
0x155: {  	v19 =	vadd.f32 $9.999999970e-07, v39  }
0x156: {  	v18 =	vmul.f32 $1.442695020e+00, v38  }
0x157: {  	(erf) = vrcp.f32 v19  }
0x158: {  	(erf) = vpow2.f32 v18;
	_ =	sdelay $0x5  }
0x159: {  	v40 =	vld [tilespmem:$0x360];
	_ =	sdelay $0x1  }
0x15a: {  	v19 =	vpop (erf)  }
0x15b: {  	v41 =	vpop (erf)  }
0x15c: {  	v20 =	vadd.f32 $9.999999970e-07, v41  }
0x15d: {  	v18 =	vmul.f32 $1.442695020e+00, v40  }
0x15e: {  	(erf) = vrcp.f32 v20  }
0x15f: {  	(erf) = vpow2.f32 v18;
	_ =	sdelay $0x7  }
0x160: {  	v42 =	vpop (erf)  }
0x161: {  	v43 =	vpop (erf)  }
0x162: {  	v44 =	vld [tilespmem:$0x3E0];
	v20 =	vadd.f32 $9.999999970e-07, v43  }
0x163: {  	v45 =	vld [tilespmem:$0xE0]  }
0x164: {  	v46 =	vld [tilespmem:$0x160];
	(erf) = vrcp.f32 v20  }
0x165: {  	v23 =	vld [tilespmem:$0x460]  }
0x166: {  	v24 =	vld [tilespmem:$0x4E0]  }
0x167: {  	v25 =	vld [tilespmem:$0x1E0];
	_ =	sdelay $0x1  }
0x168: {  	v21 =	vsub.f32 v44, v45  }
0x169: {  	v20 =	vsub.f32 v23, v46  }
0x16a: {  	v19 =	vmul.f32 v19, v21  }
0x16b: {  	v47 =	vsub.f32 v24, v25;
	v18 =	vmul.f32 v42, v20  }
0x16c: {  	v19 =	vmul.f32 v19, v19;
	v48 =	vpop (erf)  }
0x16d: {  	v18 =	vmul.f32 v18, v18;
	v20 =	vmul.f32 v48, v47;
	_ =	sdelay $0x1  }
0x16e: {  	v18 =	vadd.f32 v18, v19;
	v49 =	vmul.f32 v20, v20;
	_ =	sdelay $0x1  }
0x16f: {  	v18 =	vadd.f32 v49, v18;
	_ =	sdelay $0x1  }
0x170: {  	v19 =	vshra.s32 v18, $0x1  }
0x171: {  	v19 =	vadd.s32 $0x1FBD1DF5, v19  }
0x172: {  	(erf) = vrcp.f32 v19;
	_ =	sdelay $0x8  }
0x173: {  	v50 =	vpop (erf)  }
0x174: {  	v20 =	vmul.f32 v50, v18;
	_ =	sdelay $0x1  }
0x175: {  	v19 =	vadd.f32 v19, v20;
	_ =	sdelay $0x1  }
0x176: {  	v19 =	vmul.f32 $5.000000000e-01, v19;
	_ =	sdelay $0x1  }
0x177: {  	(erf) = vrcp.f32 v19;
	_ =	sdelay $0x8  }
0x178: {  	v51 =	vpop (erf)  }
0x179: {  	v52 =	vld [tilespmem:$0x270];
	v20 =	vmul.f32 v51, v18;
	_ =	sdelay $0x1  }
0x17a: {  	v19 =	vadd.f32 v20, v19;
	_ =	sdelay $0x1  }
0x17b: {  	v19 =	vmul.f32 $5.000000000e-01, v19  }
0x17c: {  	v53 =	vmul.f32 $1.442695020e+00, v52  }
0x17d: {  	(erf) = vrcp.f32 v19  }
0x17e: {  	(erf) = vpow2.f32 v53;
	_ =	sdelay $0x5  }
0x17f: {  	v54 =	vld [tilespmem:$0x2F0];
	_ =	sdelay $0x1  }
0x180: {  	v55 =	vpop (erf)  }
0x181: {  	v56 =	vpop (erf)  }
0x182: {  	v22 =	vadd.f32 $9.999999970e-07, v56  }
0x183: {  	v20 =	vmul.f32 $1.442695020e+00, v54  }
0x184: {  	(erf) = vrcp.f32 v22  }
0x185: {  	(erf) = vpow2.f32 v20;
	_ =	sdelay $0x5  }
0x186: {  	v57 =	vld [tilespmem:$0x370];
	_ =	sdelay $0x1  }
0x187: {  	v22 =	vpop (erf)  }
0x188: {  	v58 =	vpop (erf)  }
0x189: {  	v23 =	vadd.f32 $9.999999970e-07, v58  }
0x18a: {  	v20 =	vmul.f32 $1.442695020e+00, v57  }
0x18b: {  	(erf) = vrcp.f32 v23  }
0x18c: {  	(erf) = vpow2.f32 v20;
	_ =	sdelay $0x7  }
0x18d: {  	v59 =	vpop (erf)  }
0x18e: {  	v60 =	vpop (erf)  }
0x18f: {  	v61 =	vld [tilespmem:$0x3F0];
	v23 =	vadd.f32 $9.999999970e-07, v60  }
0x190: {  	v62 =	vld [tilespmem:$0xF0]  }
0x191: {  	v63 =	vld [tilespmem:$0x170];
	(erf) = vrcp.f32 v23  }
0x192: {  	v26 =	vld [tilespmem:$0x470]  }
0x193: {  	v28 =	vld [tilespmem:$0x1F0]  }
0x194: {  	v27 =	vld [tilespmem:$0x4F0];
	_ =	sdelay $0x1  }
0x195: {  	v24 =	vsub.f32 v61, v62  }
0x196: {  	v23 =	vsub.f32 v26, v63  }
0x197: {  	v22 =	vmul.f32 v22, v24  }
0x198: {  	v32 =	vsub.f32 v27, v28;
	v20 =	vmul.f32 v59, v23  }
0x199: {  	v22 =	vmul.f32 v22, v22;
	v33 =	vpop (erf)  }
0x19a: {  	v20 =	vmul.f32 v20, v20;
	v23 =	vmul.f32 v33, v32;
	_ =	sdelay $0x1  }
0x19b: {  	v20 =	vadd.f32 v20, v22;
	v34 =	vmul.f32 v23, v23;
	_ =	sdelay $0x1  }
0x19c: {  	v20 =	vadd.f32 v34, v20;
	_ =	sdelay $0x1  }
0x19d: {  	v22 =	vshra.s32 v20, $0x1  }
0x19e: {  	v22 =	vadd.s32 $0x1FBD1DF5, v22  }
0x19f: {  	(erf) = vrcp.f32 v22;
	_ =	sdelay $0x8  }
0x1a0: {  	v35 =	vpop (erf)  }
0x1a1: {  	v23 =	vmul.f32 v35, v20;
	_ =	sdelay $0x1  }
0x1a2: {  	v22 =	vadd.f32 v22, v23;
	_ =	sdelay $0x1  }
0x1a3: {  	v22 =	vmul.f32 $5.000000000e-01, v22;
	_ =	sdelay $0x1  }
0x1a4: {  	(erf) = vrcp.f32 v22;
	_ =	sdelay $0x2  }
0x1a5: {  	v0 =	vmul.f32 v2, v0;
	_ =	sdelay $0x1  }
0x1a6: {  	v0 =	vadd.f32 v0, v1;
	v37 =	vmul.f32 v5, v3  }
0x1a7: {  	v36 =	vld [tilespmem:$0x500]  }
0x1a8: {  	v0 =	vmul.f32 $5.000000000e-01, v0;
	v2 =	vadd.f32 v37, v4;
	_ =	sdelay $0x1  }
0x1a9: {  	v0 =	vadd.f32 $-1.000000000e+00, v0;
	v2 =	vmul.f32 $5.000000000e-01, v2;
	v39 =	vld [tilespmem:$0x510];
	v38 =	vpop (erf)  }
0x1aa: {  	v3 =	vmul.f32 v38, v20  }
0x1ab: {  	v0 =	vmul.f32 v0, v0;
	v1 =	vmax.f32 v36, $0.0e+00;
	v2 =	vadd.f32 $-1.000000000e+00, v2  }
0x1ac: {  	v1 =	vmin.f32 v1, $1.000000000e+00;
	v3 =	vadd.f32 v3, v22  }
0x1ad: {  	v0 =	vmul.f32 v0, v1;
	v2 =	vmul.f32 v2, v2  }
0x1ae: {  	v40 =	vmul.f32 v8, v6;
	v4 =	vmax.f32 v39, $0.0e+00;
	v3 =	vmul.f32 $5.000000000e-01, v3  }
0x1af: {  	v0 =	vadd.f32 $0.0e+00, v0;
	v44 =	vld [tilespmem:$0x520];
	v4 =	vmin.f32 v4, $1.000000000e+00  }
0x1b0: {  	v2 =	vmul.f32 v2, v4;
	v42 =	vadd.f32 v40, v7;
	(erf) = vrcp.f32 v3  }
0x1b1: {  	v45 =	vld [tilespmem:$0x530];
	v41 =	vmul.f32 v11, v9;
	v46 =	vmul.f32 v14, v12  }
0x1b2: {  	v0 =	vadd.f32 v2, v0;
	v1 =	vmul.f32 $5.000000000e-01, v42  }
0x1b3: {  	v43 =	vadd.f32 v41, v10;
	v2 =	vadd.f32 v46, v13  }
0x1b4: {  	v6 =	vmax.f32 v44, $0.0e+00;
	v1 =	vadd.f32 $-1.000000000e+00, v1  }
0x1b5: {  	v6 =	vmin.f32 v6, $1.000000000e+00;
	v5 =	vmul.f32 $5.000000000e-01, v43;
	v2 =	vmul.f32 $5.000000000e-01, v2  }
0x1b6: {  	v4 =	vmax.f32 v45, $0.0e+00;
	v1 =	vmul.f32 v1, v1;
	v47 =	vmul.f32 v17, v15;
	v48 =	vld [tilespmem:$0x540]  }
0x1b7: {  	v5 =	vadd.f32 $-1.000000000e+00, v5;
	v2 =	vadd.f32 $-1.000000000e+00, v2;
	v51 =	vmul.f32 v55, v18  }
0x1b8: {  	v4 =	vmin.f32 v4, $1.000000000e+00;
	v1 =	vmul.f32 v1, v6;
	v7 =	vadd.f32 v47, v16  }
0x1b9: {  	v5 =	vmul.f32 v5, v5;
	v2 =	vmul.f32 v2, v2;
	v50 =	vld [tilespmem:$0x550];
	v53 =	vadd.f32 v51, v19;
	v52 =	vpop (erf)  }
0x1ba: {  	v0 =	vadd.f32 v1, v0;
	v7 =	vmul.f32 $5.000000000e-01, v7;
	v54 =	vmul.f32 v52, v20  }
0x1bb: {  	v49 =	vmul.f32 v5, v4;
	v6 =	vmax.f32 v48, $0.0e+00;
	v55 =	vld [tilespmem:$0x560];
	v1 =	vmul.f32 $5.000000000e-01, v53  }
0x1bc: {  	v7 =	vadd.f32 $-1.000000000e+00, v7;
	v56 =	vmin.f32 v6, $1.000000000e+00;
	v58 =	vld [tilespmem:$0x570];
	v3 =	vadd.f32 v54, v3  }
0x1bd: {  	v0 =	vadd.f32 v49, v0;
	v2 =	vmul.f32 v2, v56;
	v1 =	vadd.f32 $-1.000000000e+00, v1  }
0x1be: {  	v4 =	vmax.f32 v50, $0.0e+00;
	v57 =	vmul.f32 v7, v7;
	v3 =	vmul.f32 $5.000000000e-01, v3  }
0x1bf: {  	v4 =	vmin.f32 v4, $1.000000000e+00;
	v0 =	vadd.f32 v2, v0;
	v1 =	vmul.f32 v1, v1  }
0x1c0: {  	v60 =	vmax.f32 v55, $0.0e+00;
	v59 =	vmul.f32 v57, v4;
	v3 =	vadd.f32 $-1.000000000e+00, v3  }
0x1c1: {  	v62 =	vmax.f32 v58, $0.0e+00;
	v61 =	vmin.f32 v60, $1.000000000e+00  }
0x1c2: {  	v1 =	vmul.f32 v1, v61;
	v0 =	vadd.f32 v59, v0;
	v3 =	vmul.f32 v3, v3  }
0x1c3: {  	v2 =	vmin.f32 v62, $1.000000000e+00  }
0x1c4: {  	v0 =	vadd.f32 v1, v0;
	v63 =	vmul.f32 v3, v2;
	_ =	sdelay $0x1  }
0x1c5: {  	v0 =	vadd.f32 v63, v0  }
0x1c6: {  	p0 =	sne.s32 s15, $0x1  }
.Ltmp0:
0x1c7: {  	[tilespmem:$0x580] =	vst v0;
	(pc) =	sbr.rel @p0 .LBB2_1-.Ltmp0, $4  }
0x1c8: {  	[hbm4b:s14+s1] =	stream.linear.scatter [tilespmem:s29], [sflag:$0x2], $0x80, $0x38;
	[tilespmem:$0x600] =	vst v63  }
0x1c9: {  	_ =	swait.ge [sflag:s16], $0x80  }
0x1ca: {  	[sflag:s16] =	ssyncset.done $0x0  }
0x1cb: {  	s15 =	sadd.s32 $0xFFFFFFFF, s15;
	[sflag:s16] =	ssyncadd.s32 $0xFFFFFF80  }
0x1cc: {  	_ =	sfence.sel $0x180000  }
0x1cd: {  	[bflag:$0x0] =	sbarrier.arrive $0xFFFF  }
0x1ce: {  	p0 =	sne.s32 s2, $0x0;
	_ =	strace $0x90000047  }
0x1cf: {  	s0 =	sadd.s32 @!p0 $0x100000, s0;
	[bflag:$0x2] =	sbarrier.arrive $0xFFFF  }
0x1d0: {  	[sflag:s0] =	ssyncadd.tile.s32 @!p0 $0x1;
	_ =	shalt  }
.Lfunc_end2:
_tile_overlayer_lowered:
.L_overlay_start_2:
0x1d1: {  	(tag) =	ssettag $0x2  }
0x1d2: {  	s0 =	rddreg [dreg:$0x0];
	s2 =	stileid.u32  }
0x1d3: {  	s1 =	rddreg [dreg:$0x1];
	p0 =	sne.s32 s2, $0x0  }
0x1d4: {  	s3 =	rddreg [dreg:$0x2];
	[bflag:$0x3] =	sbarrier.arrive $0xFFFF;
	s2 =	simm.s32 @!p0 $0x1C02  }
0x1d5: {  	[timem:s3], [sflag:s2] =	dma.local @!p0 [hbm:s0], s1  }
0x1d6: {  	s0 =	simm.s32 @!p0 $0x2  }
0x1d7: {  	_ =	swait.ge @!p0 [sflag:s0], s1  }
0x1d8: {  	s1 =	ssub.s32 @!p0 $0x0, s1;
	[sflag:s0] =	ssyncset.done @!p0 $0x0  }
0x1d9: {  	[sflag:s0] =	ssyncadd.s32 @!p0 s1  }
0x1da: {  	[bflag:$0x3] =	sbarrier.arrive $0xFFFF  }
0x1db: {  	_ =	shalt  }

</sc_bundles>
